<compile_context>
chip_gen: v7x
topology: tpu7x:2x2x1
jax: 0.10.2.dev20260603
libtpu: 0.0.44.dev20260713+nightly
codegen_flags: <defaults>
</compile_context>

<pallas_src>
import functools

import jax
import jax.numpy as jnp
from jax import lax
from jax.experimental import pallas as pl
from jax.experimental.pallas import tpu as pltpu
from jax.experimental.pallas import tpu_sc as plsc

B = 2048
D = 256
R = 2048
NB = B // R
GAMMA = 0.8
EPS = 1e-14
RHO = 8.0
GRAD_CLIP = 5.0
ETA_INIT = 1e-05

try:
    _SC_INFO = plsc.get_sparse_core_info()
    _NC, _NS = _SC_INFO.num_cores, _SC_INFO.num_subcores
except ValueError:
    _NC, _NS = 2, 16
_NW = _NC * _NS
_BPW = B // _NW

_vec2 = jax.ShapeDtypeStruct((2, B), jnp.float32)


@functools.partial(
    pl.kernel,
    mesh=plsc.VectorSubcoreMesh(core_axis_name="c", subcore_axis_name="s",
                                num_cores=_NC, num_subcores=_NS),
    out_type=[_vec2] * 3,
    scratch_types=[
        pltpu.VMEM((_BPW,), jnp.int32),
        pltpu.VMEM((_BPW,), jnp.int32),
        pltpu.VMEM((_BPW,), jnp.float32),
        pltpu.VMEM((_BPW,), jnp.float32),
        pltpu.VMEM((_BPW,), jnp.float32),
        pltpu.VMEM((_BPW,), jnp.float32),
        pltpu.VMEM((_BPW,), jnp.float32),
        pltpu.VMEM((_BPW,), jnp.float32),
        pltpu.SemaphoreType.DMA,
        pltpu.SemaphoreType.DMA,
    ],
)
def _gather6(img_ids, txt_ids, tau_i_t, s_i_t, b_i_t, tau_t_t, s_t_t, b_t_t,
             o_tau, o_s, o_b, idx_i, idx_t, b0, b1, b2, b3, b4, b5, sem, sem2):
    wid = lax.axis_index("s") * _NC + lax.axis_index("c")
    base = wid * _BPW
    ci = pltpu.async_copy(img_ids.at[pl.ds(base, _BPW)], idx_i, sem)
    ct = pltpu.async_copy(txt_ids.at[pl.ds(base, _BPW)], idx_t, sem)
    ci.wait()
    ct.wait()
    plan = ((0, idx_i, tau_i_t, o_tau, b0), (0, idx_i, s_i_t, o_s, b1),
            (0, idx_i, b_i_t, o_b, b2), (1, idx_t, tau_t_t, o_tau, b3),
            (1, idx_t, s_t_t, o_s, b4), (1, idx_t, b_t_t, o_b, b5))
    copies = [pltpu.async_copy(table.at[idx], buf, sem)
              for row, idx, table, out, buf in plan]
    stores = []
    for c, (row, idx, table, out, buf) in zip(copies, plan):
        c.wait()
        stores.append(pltpu.async_copy(buf, out.at[row, pl.ds(base, _BPW)], sem2))
    for st in stores:
        st.wait()


def _transpose2_body(img_ref, txt_ref, ot_ref):
    s = pl.program_id(0)

    def _t_img():
        return txt_ref[...].T

    def _t_txt():
        return img_ref[...].T

    ot_ref[0] = lax.cond(s == 0, _t_img, _t_txt)


def _tc_body(img_ref, txt_ref, ot_ref, tau_ref, s_ref, b_ref, e0_ref,
             loss_ref, taui_ref, taut_ref, twim_ref, twtm_ref,
             twmax_ref, twmin_ref, acc):
    s = pl.program_id(0)
    i = pl.program_id(1)
    ii = i * R
    is_img = s == 0

    def _img_side():
        return (img_ref[pl.ds(ii, R), :],
                tau_ref[0, pl.ds(ii, R)], s_ref[0, pl.ds(ii, R)],
                b_ref[0, pl.ds(ii, R)])

    def _txt_side():
        return (txt_ref[pl.ds(ii, R), :],
                tau_ref[1, pl.ds(ii, R)], s_ref[1, pl.ds(ii, R)],
                b_ref[1, pl.ds(ii, R)])

    feat, tau, s_old, b_old = lax.cond(is_img, _img_side, _txt_side)
    S2 = jnp.dot(feat, ot_ref[0], preferred_element_type=jnp.float32)
    col = lax.broadcasted_iota(jnp.int32, (R, B), 1)
    row = lax.broadcasted_iota(jnp.int32, (R, B), 0)
    is_diag = col == ii + row
    d = jnp.sum(jnp.where(is_diag, S2, 0.0), axis=1)
    rtau = 1.0 / tau
    m = jnp.max(S2, axis=1)
    b_new = jnp.maximum(b_old, (m - d) * rtau)
    diffs = S2 - d[:, None]
    E = jnp.exp(diffs * rtau[:, None] - b_new[:, None])
    E = jnp.where(is_diag, 0.0, E)
    g = jnp.sum(E, axis=1)
    P1 = jnp.sum(E * diffs, axis=1)
    ema = (1.0 - GAMMA) * s_old * jnp.exp(b_old - b_new) + GAMMA * g
    e0 = e0_ref[0, 0]
    sI = e0 * g + (1.0 - e0) * ema
    sIc = jnp.maximum(sI, EPS)
    rs = 1.0 / sIc
    loss_rows = P1 * rs
    wid_rows = loss_rows * rtau
    tw = jnp.log(sIc / (B - 1)) + b_new + RHO - wid_rows
    tw = jnp.clip(tw, -GRAD_CLIP, GRAD_CLIP)

    blk_loss = jnp.sum(loss_rows)
    blk_twsum = jnp.sum(tw)
    blk_twmax = jnp.max(tw)
    blk_twmin = jnp.min(tw)
    blk_tau = jnp.sum(tau)

    @pl.when((s == 0) & (i == 0))
    def _init():
        acc[0] = blk_loss
        acc[1] = blk_twsum
        acc[2] = 0.0
        acc[3] = blk_twmax
        acc[4] = blk_twmin
        acc[5] = blk_tau
        acc[6] = 0.0

    @pl.when((s != 0) | (i != 0))
    def _accum():
        acc[0] += blk_loss
        acc[1 + s] += blk_twsum
        acc[5 + s] += blk_tau

        @pl.when(s == 0)
        def _mm():
            acc[3] = jnp.maximum(acc[3], blk_twmax)
            acc[4] = jnp.minimum(acc[4], blk_twmin)

    @pl.when((s == 1) & (i == NB - 1))
    def _final():
        invB = jnp.float32(1.0 / B)
        loss_ref[0, 0] = acc[0] * invB
        taui_ref[0, 0] = acc[5] * invB
        taut_ref[0, 0] = acc[6] * invB
        twim_ref[0, 0] = acc[1] * invB
        twtm_ref[0, 0] = acc[2] * invB
        twmax_ref[0, 0] = acc[3]
        twmin_ref[0, 0] = acc[4]


_scal = jax.ShapeDtypeStruct((1, 1), jnp.float32)


def kernel(image_features, text_features, image_ids, text_ids, epoch, max_epoch,
           s_I, s_T, b_I, b_T, u_I, u_T, tau_I, tau_T, mask_neg):
    tau2, s2, b2 = _gather6(image_ids, text_ids, tau_I, s_I, b_I, tau_T, s_T, b_T)

    e0 = (jnp.asarray(epoch) == 0).astype(jnp.float32).reshape(1, 1)

    ot = pl.pallas_call(
        _transpose2_body,
        grid=(2,),
        in_specs=[
            pl.BlockSpec((B, D), lambda s: (0, 0)),
            pl.BlockSpec((B, D), lambda s: (0, 0)),
        ],
        out_specs=pl.BlockSpec((1, D, B), lambda s: (s, 0, 0)),
        out_shape=jax.ShapeDtypeStruct((2, D, B), jnp.float32),
    )(image_features, text_features)

    smem = pltpu.MemorySpace.SMEM
    full = lambda shape: pl.BlockSpec(shape, lambda s, i: tuple(0 for _ in shape))
    outs = pl.pallas_call(
        _tc_body,
        grid=(2, NB),
        in_specs=[
            full((B, D)),
            full((B, D)),
            pl.BlockSpec((1, D, B), lambda s, i: (s, 0, 0)),
            full((2, B)),
            full((2, B)),
            full((2, B)),
            pl.BlockSpec(memory_space=smem),
        ],
        out_specs=[pl.BlockSpec((1, 1), lambda s, i: (0, 0), memory_space=smem)] * 7,
        out_shape=[_scal] * 7,
        scratch_shapes=[pltpu.SMEM((8,), jnp.float32)],
    )(image_features, text_features, ot, tau2, s2, b2, e0)
    loss, taui, taut, twim, twtm, twmax, twmin = outs

    return (loss[0, 0], taui[0, 0], taut[0, 0], jnp.float32(ETA_INIT),
            twim[0, 0], twtm[0, 0], twmax[0, 0], twmin[0, 0])

# --- scband reference (transcript-rebuilt; emitter-appended) ---
"""Pipeline reference for scband-i-sog-clr-new-loss-9972914061425 (READ-ONLY COPY).

The authoritative reference and input builder live on the scoring server;
editing this copy changes nothing except your own understanding.
"""

import jax, jax.numpy as jnp
import numpy as np

N = 2900000
BSZ = 2048
D = 256
GAMMA = 0.8
EPS = 1e-14
RHO_I = 8.0
RHO_T = 8.0
TAU_INIT = 0.01
TAU_MIN = 0.005
TAU_MAX = 0.05
BETA_U = 0.5
GRAD_CLIP = 5.0
ETA_INIT = 1e-05


def setup_inputs(seed: int = 0) -> dict:
    key = jax.random.key(seed)
    k1, k2 = jax.random.split(key)
    img = jax.random.normal(k1, (BSZ, D), jnp.float32)
    txt = jax.random.normal(k2, (BSZ, D), jnp.float32)
    img = img / jnp.linalg.norm(img, axis=1, keepdims=True)
    txt = txt / jnp.linalg.norm(txt, axis=1, keepdims=True)
    image_ids = jnp.arange(BSZ, dtype=jnp.int32)
    text_ids = jnp.arange(BSZ, dtype=jnp.int32)
    z = jnp.zeros((N,), jnp.float32)
    return {
        'image_features': img,
        'text_features': txt,
        'image_ids': image_ids,
        'text_ids': text_ids,
        'epoch': 1,
        'max_epoch': 30,
        's_I': z,
        's_T': z,
        'b_I': z,
        'b_T': z,
        'u_I': z,
        'u_T': z,
        'tau_I': jnp.full((N,), TAU_INIT, jnp.float32),
        'tau_T': jnp.full((N,), TAU_INIT, jnp.float32),
        'mask_neg': 1.0 - jnp.eye(BSZ, dtype=jnp.float32),
    }


def reference(image_features, text_features, image_ids, text_ids, epoch, max_epoch,
              s_I, s_T, b_I, b_T, u_I, u_T, tau_I, tau_T, mask_neg):
    sg = jax.lax.stop_gradient
    sim = jnp.einsum('id,jd->ij', image_features, text_features)
    diag_sim = jnp.diagonal(sim)
    B = sim.shape[0]
    # gather per-sample temperatures from N-sized state (use_temp_net=False branch)
    tau_image = tau_I[image_ids]
    tau_text = tau_T[text_ids]
    image_diffs = sim - diag_sim[:, None]
    text_diffs = sim - diag_sim[None, :]
    idt = sg(image_diffs / tau_image[:, None])
    tdt = sg(text_diffs / tau_text[None, :])
    # running-max state update (scatter into N-sized buffers)
    old_b_I = b_I[image_ids]
    b_I = b_I.at[image_ids].set(jnp.maximum(jnp.max(idt, axis=1), old_b_I))
    old_b_T = b_T[text_ids]
    b_T = b_T.at[text_ids].set(jnp.maximum(jnp.max(tdt, axis=0), old_b_T))
    b_I_g = b_I[image_ids]
    b_T_g = b_T[text_ids]
    exp_i = jnp.exp(idt - b_I_g[:, None]) * mask_neg
    exp_t = jnp.exp(tdt - b_T_g[None, :]) * mask_neg
    g_I = jnp.sum(exp_i, axis=1, keepdims=True)
    g_T = jnp.sum(exp_t, axis=0, keepdims=True)
    is_epoch0 = (epoch == 0)
    sI_ema = ((1.0 - GAMMA) * s_I[image_ids] * jnp.exp(old_b_I - b_I_g) + GAMMA * jnp.squeeze(g_I, 1)).reshape(g_I.shape)
    sT_ema = ((1.0 - GAMMA) * s_T[text_ids] * jnp.exp(old_b_T - b_T_g) + GAMMA * jnp.squeeze(g_T, 0)).reshape(g_T.shape)
    sI = jnp.where(is_epoch0, g_I, sI_ema)
    sT = jnp.where(is_epoch0, g_T, sT_ema)
    s_I = s_I.at[image_ids].set(jnp.squeeze(sI))
    s_T = s_T.at[text_ids].set(jnp.squeeze(sT))
    sI = jnp.clip(sI, EPS)
    sT = jnp.clip(sT, EPS)
    w_i = exp_i / sI
    w_t = exp_t / sT
    image_loss = jnp.sum(w_i * image_diffs, axis=1, keepdims=True)
    text_loss = jnp.sum(w_t * text_diffs, axis=0, keepdims=True)
    total_loss = image_loss.mean() + text_loss.mean()
    twi = jnp.log(sI / (B - 1)) + b_I_g[:, None] + RHO_I - jnp.sum(w_i * idt, axis=1, keepdims=True)
    twt = jnp.log(sT / (B - 1)) + b_T_g[None, :] + RHO_T - jnp.sum(w_t * tdt, axis=0, keepdims=True)
    # u / tau state updates (use_temp_net=False); torch clamp_ also clamps twi/twt in place
    u_I_new = (1.0 - BETA_U) * u_I[image_ids] + BETA_U * jnp.clip(jnp.squeeze(twi, 1), -GRAD_CLIP, GRAD_CLIP)
    u_T_new = (1.0 - BETA_U) * u_T[text_ids] + BETA_U * jnp.clip(jnp.squeeze(twt, 0), -GRAD_CLIP, GRAD_CLIP)
    u_I = u_I.at[image_ids].set(u_I_new)
    u_T = u_T.at[text_ids].set(u_T_new)
    twi = jnp.clip(twi, -GRAD_CLIP, GRAD_CLIP)
    twt = jnp.clip(twt, -GRAD_CLIP, GRAD_CLIP)
    tau_I = tau_I.at[image_ids].set(jnp.clip(tau_image - ETA_INIT * u_I_new, TAU_MIN, TAU_MAX))
    tau_T = tau_T.at[text_ids].set(jnp.clip(tau_text - ETA_INIT * u_T_new, TAU_MIN, TAU_MAX))
    return (total_loss, tau_image.mean(), tau_text.mean(), jnp.float32(ETA_INIT),
            twi.mean(), twt.mean(), twi.max(), twi.min())

if __name__ == "__main__":
    import jax
    _d = setup_inputs()
    print(jax.jit(kernel)(*tuple(_d.values())))

</pallas_src>

<mosaic_0001>
#map = affine_map<(d0, d1) -> (0)>
#map1 = affine_map<(d0, d1) -> (0, 0)>
module attributes {stable_mosaic.version = 14 : i64} {
  func.func @_gather6(%arg0: i32, %arg1: i32, %arg2: memref<2048xi32, #tpu.memory_space<hbm>>, %arg3: memref<2048xi32, #tpu.memory_space<hbm>>, %arg4: memref<2900000xf32, #tpu.memory_space<hbm>>, %arg5: memref<2900000xf32, #tpu.memory_space<hbm>>, %arg6: memref<2900000xf32, #tpu.memory_space<hbm>>, %arg7: memref<2900000xf32, #tpu.memory_space<hbm>>, %arg8: memref<2900000xf32, #tpu.memory_space<hbm>>, %arg9: memref<2900000xf32, #tpu.memory_space<hbm>>, %arg10: memref<2x2048xf32, #tpu.memory_space<hbm>>, %arg11: memref<2x2048xf32, #tpu.memory_space<hbm>>, %arg12: memref<2x2048xf32, #tpu.memory_space<hbm>>, %arg13: memref<64xi32, #tpu.memory_space<vmem>>, %arg14: memref<64xi32, #tpu.memory_space<vmem>>, %arg15: memref<64xf32, #tpu.memory_space<vmem>>, %arg16: memref<64xf32, #tpu.memory_space<vmem>>, %arg17: memref<64xf32, #tpu.memory_space<vmem>>, %arg18: memref<64xf32, #tpu.memory_space<vmem>>, %arg19: memref<64xf32, #tpu.memory_space<vmem>>, %arg20: memref<64xf32, #tpu.memory_space<vmem>>, %arg21: memref<!tpu.dma_semaphore, #tpu.memory_space<semaphore_mem>>, %arg22: memref<!tpu.dma_semaphore, #tpu.memory_space<semaphore_mem>>) attributes {dimension_semantics = [#tpu.dimension_semantics<core_parallel>, #tpu.dimension_semantics<subcore_parallel>], iteration_bounds = array<i64: 2, 16>, scalar_prefetch = 0 : i64, scratch_operands = 10 : i64, tpu.core_type = #tpu.core_type<sc_vector_subcore>, window_params = [{transform_indices = #map}, {transform_indices = #map}, {transform_indices = #map}, {transform_indices = #map}, {transform_indices = #map}, {transform_indices = #map}, {transform_indices = #map}, {transform_indices = #map}, {transform_indices = #map1}, {transform_indices = #map1}, {transform_indices = #map1}]} {
    %mul3A = arith.constant 2 : i32
    %mul3A_0 = arith.muli %arg1, %mul3A : i32
    %add3A = arith.addi %mul3A_0, %arg0 : i32
    %mul3A_1 = arith.constant 64 : i32
    %mul3A_2 = arith.muli %add3A, %mul3A_1 : i32
    %dma_start3A = tpu.memref_slice %arg2[%mul3A_2] : memref<2048xi32, #tpu.memory_space<hbm>> -> memref<64xi32, #tpu.memory_space<hbm>>
    %dma_start3A_3 = tpu.memref_slice %arg2[%mul3A_2] : memref<2048xi32, #tpu.memory_space<hbm>> -> memref<64xi32, #tpu.memory_space<hbm>>
    tpu.enqueue_dma source(%dma_start3A_3 : memref<64xi32, #tpu.memory_space<hbm>>) target(%arg13 : memref<64xi32, #tpu.memory_space<vmem>>) target_semaphore(%arg21 : memref<!tpu.dma_semaphore, #tpu.memory_space<semaphore_mem>>)
    %dma_start3A_4 = tpu.memref_slice %arg3[%mul3A_2] : memref<2048xi32, #tpu.memory_space<hbm>> -> memref<64xi32, #tpu.memory_space<hbm>>
    %dma_start3A_5 = tpu.memref_slice %arg3[%mul3A_2] : memref<2048xi32, #tpu.memory_space<hbm>> -> memref<64xi32, #tpu.memory_space<hbm>>
    tpu.enqueue_dma source(%dma_start3A_5 : memref<64xi32, #tpu.memory_space<hbm>>) target(%arg14 : memref<64xi32, #tpu.memory_space<vmem>>) target_semaphore(%arg21 : memref<!tpu.dma_semaphore, #tpu.memory_space<semaphore_mem>>)
    %dma_wait3A = tpu.memref_slice %arg2[%mul3A_2] : memref<2048xi32, #tpu.memory_space<hbm>> -> memref<64xi32, #tpu.memory_space<hbm>>
    %dma_wait3A_6 = tpu.memref_slice %arg2[%mul3A_2] : memref<2048xi32, #tpu.memory_space<hbm>> -> memref<64xi32, #tpu.memory_space<hbm>>
    tpu.wait_dma2 semaphore(%arg21 : memref<!tpu.dma_semaphore, #tpu.memory_space<semaphore_mem>>) src(%dma_wait3A_6 : memref<64xi32, #tpu.memory_space<hbm>>) dst(%arg13 : memref<64xi32, #tpu.memory_space<vmem>>)
    %dma_wait3A_7 = tpu.memref_slice %arg3[%mul3A_2] : memref<2048xi32, #tpu.memory_space<hbm>> -> memref<64xi32, #tpu.memory_space<hbm>>
    %dma_wait3A_8 = tpu.memref_slice %arg3[%mul3A_2] : memref<2048xi32, #tpu.memory_space<hbm>> -> memref<64xi32, #tpu.memory_space<hbm>>
    tpu.wait_dma2 semaphore(%arg21 : memref<!tpu.dma_semaphore, #tpu.memory_space<semaphore_mem>>) src(%dma_wait3A_8 : memref<64xi32, #tpu.memory_space<hbm>>) dst(%arg14 : memref<64xi32, #tpu.memory_space<vmem>>)
    %dma_start3A_9 = arith.constant 0 : i32
    %dma_start3A_10 = tpu.memref_slice %arg4[%dma_start3A_9] : memref<2900000xf32, #tpu.memory_space<hbm>> -> memref<2900000xf32, #tpu.memory_space<hbm>>
    tpu.enqueue_indirect_dma source(%dma_start3A_10 : memref<2900000xf32, #tpu.memory_space<hbm>>) target(%arg15 : memref<64xf32, #tpu.memory_space<vmem>>) offsets(%arg13 : memref<64xi32, #tpu.memory_space<vmem>>) semaphore(%arg21 : memref<!tpu.dma_semaphore, #tpu.memory_space<semaphore_mem>>)
    %dma_start3A_11 = arith.constant 0 : i32
    %dma_start3A_12 = tpu.memref_slice %arg5[%dma_start3A_11] : memref<2900000xf32, #tpu.memory_space<hbm>> -> memref<2900000xf32, #tpu.memory_space<hbm>>
    tpu.enqueue_indirect_dma source(%dma_start3A_12 : memref<2900000xf32, #tpu.memory_space<hbm>>) target(%arg16 : memref<64xf32, #tpu.memory_space<vmem>>) offsets(%arg13 : memref<64xi32, #tpu.memory_space<vmem>>) semaphore(%arg21 : memref<!tpu.dma_semaphore, #tpu.memory_space<semaphore_mem>>)
    %dma_start3A_13 = arith.constant 0 : i32
    %dma_start3A_14 = tpu.memref_slice %arg6[%dma_start3A_13] : memref<2900000xf32, #tpu.memory_space<hbm>> -> memref<2900000xf32, #tpu.memory_space<hbm>>
    tpu.enqueue_indirect_dma source(%dma_start3A_14 : memref<2900000xf32, #tpu.memory_space<hbm>>) target(%arg17 : memref<64xf32, #tpu.memory_space<vmem>>) offsets(%arg13 : memref<64xi32, #tpu.memory_space<vmem>>) semaphore(%arg21 : memref<!tpu.dma_semaphore, #tpu.memory_space<semaphore_mem>>)
    %dma_start3A_15 = arith.constant 0 : i32
    %dma_start3A_16 = tpu.memref_slice %arg7[%dma_start3A_15] : memref<2900000xf32, #tpu.memory_space<hbm>> -> memref<2900000xf32, #tpu.memory_space<hbm>>
    tpu.enqueue_indirect_dma source(%dma_start3A_16 : memref<2900000xf32, #tpu.memory_space<hbm>>) target(%arg18 : memref<64xf32, #tpu.memory_space<vmem>>) offsets(%arg14 : memref<64xi32, #tpu.memory_space<vmem>>) semaphore(%arg21 : memref<!tpu.dma_semaphore, #tpu.memory_space<semaphore_mem>>)
    %dma_start3A_17 = arith.constant 0 : i32
    %dma_start3A_18 = tpu.memref_slice %arg8[%dma_start3A_17] : memref<2900000xf32, #tpu.memory_space<hbm>> -> memref<2900000xf32, #tpu.memory_space<hbm>>
    tpu.enqueue_indirect_dma source(%dma_start3A_18 : memref<2900000xf32, #tpu.memory_space<hbm>>) target(%arg19 : memref<64xf32, #tpu.memory_space<vmem>>) offsets(%arg14 : memref<64xi32, #tpu.memory_space<vmem>>) semaphore(%arg21 : memref<!tpu.dma_semaphore, #tpu.memory_space<semaphore_mem>>)
    %dma_start3A_19 = arith.constant 0 : i32
    %dma_start3A_20 = tpu.memref_slice %arg9[%dma_start3A_19] : memref<2900000xf32, #tpu.memory_space<hbm>> -> memref<2900000xf32, #tpu.memory_space<hbm>>
    tpu.enqueue_indirect_dma source(%dma_start3A_20 : memref<2900000xf32, #tpu.memory_space<hbm>>) target(%arg20 : memref<64xf32, #tpu.memory_space<vmem>>) offsets(%arg14 : memref<64xi32, #tpu.memory_space<vmem>>) semaphore(%arg21 : memref<!tpu.dma_semaphore, #tpu.memory_space<semaphore_mem>>)
    %dma_wait3A_21 = arith.constant 0 : i32
    %dma_wait3A_22 = tpu.memref_slice %arg4[%dma_wait3A_21] : memref<2900000xf32, #tpu.memory_space<hbm>> -> memref<2900000xf32, #tpu.memory_space<hbm>>
    tpu.wait_indirect_dma semaphore(%arg21 : memref<!tpu.dma_semaphore, #tpu.memory_space<semaphore_mem>>) src(%dma_wait3A_22 : memref<2900000xf32, #tpu.memory_space<hbm>>) dst(%arg15 : memref<64xf32, #tpu.memory_space<vmem>>)
    %dma_start3A_23 = arith.constant 0 : i32
    %dma_start3A_24 = tpu.memref_slice %arg10[%dma_start3A_23, %mul3A_2] : memref<2x2048xf32, #tpu.memory_space<hbm>> -> memref<1x64xf32, #tpu.memory_space<hbm>>
    %dma_start3A_25 = tpu.memref_squeeze %dma_start3A_24 : memref<1x64xf32, #tpu.memory_space<hbm>> -> memref<64xf32, #tpu.memory_space<hbm>>
    %dma_start3A_26 = tpu.memref_slice %arg10[%dma_start3A_23, %mul3A_2] : memref<2x2048xf32, #tpu.memory_space<hbm>> -> memref<1x64xf32, #tpu.memory_space<hbm>>
    %dma_start3A_27 = tpu.memref_squeeze %dma_start3A_26 : memref<1x64xf32, #tpu.memory_space<hbm>> -> memref<64xf32, #tpu.memory_space<hbm>>
    tpu.enqueue_dma source(%arg15 : memref<64xf32, #tpu.memory_space<vmem>>) target(%dma_start3A_27 : memref<64xf32, #tpu.memory_space<hbm>>) target_semaphore(%arg22 : memref<!tpu.dma_semaphore, #tpu.memory_space<semaphore_mem>>)
    %dma_wait3A_28 = arith.constant 0 : i32
    %dma_wait3A_29 = tpu.memref_slice %arg5[%dma_wait3A_28] : memref<2900000xf32, #tpu.memory_space<hbm>> -> memref<2900000xf32, #tpu.memory_space<hbm>>
    tpu.wait_indirect_dma semaphore(%arg21 : memref<!tpu.dma_semaphore, #tpu.memory_space<semaphore_mem>>) src(%dma_wait3A_29 : memref<2900000xf32, #tpu.memory_space<hbm>>) dst(%arg16 : memref<64xf32, #tpu.memory_space<vmem>>)
    %dma_start3A_30 = arith.constant 0 : i32
    %dma_start3A_31 = tpu.memref_slice %arg11[%dma_start3A_30, %mul3A_2] : memref<2x2048xf32, #tpu.memory_space<hbm>> -> memref<1x64xf32, #tpu.memory_space<hbm>>
    %dma_start3A_32 = tpu.memref_squeeze %dma_start3A_31 : memref<1x64xf32, #tpu.memory_space<hbm>> -> memref<64xf32, #tpu.memory_space<hbm>>
    %dma_start3A_33 = tpu.memref_slice %arg11[%dma_start3A_30, %mul3A_2] : memref<2x2048xf32, #tpu.memory_space<hbm>> -> memref<1x64xf32, #tpu.memory_space<hbm>>
    %dma_start3A_34 = tpu.memref_squeeze %dma_start3A_33 : memref<1x64xf32, #tpu.memory_space<hbm>> -> memref<64xf32, #tpu.memory_space<hbm>>
    tpu.enqueue_dma source(%arg16 : memref<64xf32, #tpu.memory_space<vmem>>) target(%dma_start3A_34 : memref<64xf32, #tpu.memory_space<hbm>>) target_semaphore(%arg22 : memref<!tpu.dma_semaphore, #tpu.memory_space<semaphore_mem>>)
    %dma_wait3A_35 = arith.constant 0 : i32
    %dma_wait3A_36 = tpu.memref_slice %arg6[%dma_wait3A_35] : memref<2900000xf32, #tpu.memory_space<hbm>> -> memref<2900000xf32, #tpu.memory_space<hbm>>
    tpu.wait_indirect_dma semaphore(%arg21 : memref<!tpu.dma_semaphore, #tpu.memory_space<semaphore_mem>>) src(%dma_wait3A_36 : memref<2900000xf32, #tpu.memory_space<hbm>>) dst(%arg17 : memref<64xf32, #tpu.memory_space<vmem>>)
    %dma_start3A_37 = arith.constant 0 : i32
    %dma_start3A_38 = tpu.memref_slice %arg12[%dma_start3A_37, %mul3A_2] : memref<2x2048xf32, #tpu.memory_space<hbm>> -> memref<1x64xf32, #tpu.memory_space<hbm>>
    %dma_start3A_39 = tpu.memref_squeeze %dma_start3A_38 : memref<1x64xf32, #tpu.memory_space<hbm>> -> memref<64xf32, #tpu.memory_space<hbm>>
    %dma_start3A_40 = tpu.memref_slice %arg12[%dma_start3A_37, %mul3A_2] : memref<2x2048xf32, #tpu.memory_space<hbm>> -> memref<1x64xf32, #tpu.memory_space<hbm>>
    %dma_start3A_41 = tpu.memref_squeeze %dma_start3A_40 : memref<1x64xf32, #tpu.memory_space<hbm>> -> memref<64xf32, #tpu.memory_space<hbm>>
    tpu.enqueue_dma source(%arg17 : memref<64xf32, #tpu.memory_space<vmem>>) target(%dma_start3A_41 : memref<64xf32, #tpu.memory_space<hbm>>) target_semaphore(%arg22 : memref<!tpu.dma_semaphore, #tpu.memory_space<semaphore_mem>>)
    %dma_wait3A_42 = arith.constant 0 : i32
    %dma_wait3A_43 = tpu.memref_slice %arg7[%dma_wait3A_42] : memref<2900000xf32, #tpu.memory_space<hbm>> -> memref<2900000xf32, #tpu.memory_space<hbm>>
    tpu.wait_indirect_dma semaphore(%arg21 : memref<!tpu.dma_semaphore, #tpu.memory_space<semaphore_mem>>) src(%dma_wait3A_43 : memref<2900000xf32, #tpu.memory_space<hbm>>) dst(%arg18 : memref<64xf32, #tpu.memory_space<vmem>>)
    %dma_start3A_44 = arith.constant 1 : i32
    %dma_start3A_45 = tpu.memref_slice %arg10[%dma_start3A_44, %mul3A_2] : memref<2x2048xf32, #tpu.memory_space<hbm>> -> memref<1x64xf32, #tpu.memory_space<hbm>>
    %dma_start3A_46 = tpu.memref_squeeze %dma_start3A_45 : memref<1x64xf32, #tpu.memory_space<hbm>> -> memref<64xf32, #tpu.memory_space<hbm>>
    %dma_start3A_47 = tpu.memref_slice %arg10[%dma_start3A_44, %mul3A_2] : memref<2x2048xf32, #tpu.memory_space<hbm>> -> memref<1x64xf32, #tpu.memory_space<hbm>>
    %dma_start3A_48 = tpu.memref_squeeze %dma_start3A_47 : memref<1x64xf32, #tpu.memory_space<hbm>> -> memref<64xf32, #tpu.memory_space<hbm>>
    tpu.enqueue_dma source(%arg18 : memref<64xf32, #tpu.memory_space<vmem>>) target(%dma_start3A_48 : memref<64xf32, #tpu.memory_space<hbm>>) target_semaphore(%arg22 : memref<!tpu.dma_semaphore, #tpu.memory_space<semaphore_mem>>)
    %dma_wait3A_49 = arith.constant 0 : i32
    %dma_wait3A_50 = tpu.memref_slice %arg8[%dma_wait3A_49] : memref<2900000xf32, #tpu.memory_space<hbm>> -> memref<2900000xf32, #tpu.memory_space<hbm>>
    tpu.wait_indirect_dma semaphore(%arg21 : memref<!tpu.dma_semaphore, #tpu.memory_space<semaphore_mem>>) src(%dma_wait3A_50 : memref<2900000xf32, #tpu.memory_space<hbm>>) dst(%arg19 : memref<64xf32, #tpu.memory_space<vmem>>)
    %dma_start3A_51 = arith.constant 1 : i32
    %dma_start3A_52 = tpu.memref_slice %arg11[%dma_start3A_51, %mul3A_2] : memref<2x2048xf32, #tpu.memory_space<hbm>> -> memref<1x64xf32, #tpu.memory_space<hbm>>
    %dma_start3A_53 = tpu.memref_squeeze %dma_start3A_52 : memref<1x64xf32, #tpu.memory_space<hbm>> -> memref<64xf32, #tpu.memory_space<hbm>>
    %dma_start3A_54 = tpu.memref_slice %arg11[%dma_start3A_51, %mul3A_2] : memref<2x2048xf32, #tpu.memory_space<hbm>> -> memref<1x64xf32, #tpu.memory_space<hbm>>
    %dma_start3A_55 = tpu.memref_squeeze %dma_start3A_54 : memref<1x64xf32, #tpu.memory_space<hbm>> -> memref<64xf32, #tpu.memory_space<hbm>>
    tpu.enqueue_dma source(%arg19 : memref<64xf32, #tpu.memory_space<vmem>>) target(%dma_start3A_55 : memref<64xf32, #tpu.memory_space<hbm>>) target_semaphore(%arg22 : memref<!tpu.dma_semaphore, #tpu.memory_space<semaphore_mem>>)
    %dma_wait3A_56 = arith.constant 0 : i32
    %dma_wait3A_57 = tpu.memref_slice %arg9[%dma_wait3A_56] : memref<2900000xf32, #tpu.memory_space<hbm>> -> memref<2900000xf32, #tpu.memory_space<hbm>>
    tpu.wait_indirect_dma semaphore(%arg21 : memref<!tpu.dma_semaphore, #tpu.memory_space<semaphore_mem>>) src(%dma_wait3A_57 : memref<2900000xf32, #tpu.memory_space<hbm>>) dst(%arg20 : memref<64xf32, #tpu.memory_space<vmem>>)
    %dma_start3A_58 = arith.constant 1 : i32
    %dma_start3A_59 = tpu.memref_slice %arg12[%dma_start3A_58, %mul3A_2] : memref<2x2048xf32, #tpu.memory_space<hbm>> -> memref<1x64xf32, #tpu.memory_space<hbm>>
    %dma_start3A_60 = tpu.memref_squeeze %dma_start3A_59 : memref<1x64xf32, #tpu.memory_space<hbm>> -> memref<64xf32, #tpu.memory_space<hbm>>
    %dma_start3A_61 = tpu.memref_slice %arg12[%dma_start3A_58, %mul3A_2] : memref<2x2048xf32, #tpu.memory_space<hbm>> -> memref<1x64xf32, #tpu.memory_space<hbm>>
    %dma_start3A_62 = tpu.memref_squeeze %dma_start3A_61 : memref<1x64xf32, #tpu.memory_space<hbm>> -> memref<64xf32, #tpu.memory_space<hbm>>
    tpu.enqueue_dma source(%arg20 : memref<64xf32, #tpu.memory_space<vmem>>) target(%dma_start3A_62 : memref<64xf32, #tpu.memory_space<hbm>>) target_semaphore(%arg22 : memref<!tpu.dma_semaphore, #tpu.memory_space<semaphore_mem>>)
    %dma_wait3A_63 = arith.constant 0 : i32
    %dma_wait3A_64 = tpu.memref_slice %arg10[%dma_wait3A_63, %mul3A_2] : memref<2x2048xf32, #tpu.memory_space<hbm>> -> memref<1x64xf32, #tpu.memory_space<hbm>>
    %dma_wait3A_65 = tpu.memref_squeeze %dma_wait3A_64 : memref<1x64xf32, #tpu.memory_space<hbm>> -> memref<64xf32, #tpu.memory_space<hbm>>
    %dma_wait3A_66 = tpu.memref_slice %arg10[%dma_wait3A_63, %mul3A_2] : memref<2x2048xf32, #tpu.memory_space<hbm>> -> memref<1x64xf32, #tpu.memory_space<hbm>>
    %dma_wait3A_67 = tpu.memref_squeeze %dma_wait3A_66 : memref<1x64xf32, #tpu.memory_space<hbm>> -> memref<64xf32, #tpu.memory_space<hbm>>
    tpu.wait_dma2 semaphore(%arg22 : memref<!tpu.dma_semaphore, #tpu.memory_space<semaphore_mem>>) src(%arg15 : memref<64xf32, #tpu.memory_space<vmem>>) dst(%dma_wait3A_67 : memref<64xf32, #tpu.memory_space<hbm>>)
    %dma_wait3A_68 = arith.constant 0 : i32
    %dma_wait3A_69 = tpu.memref_slice %arg11[%dma_wait3A_68, %mul3A_2] : memref<2x2048xf32, #tpu.memory_space<hbm>> -> memref<1x64xf32, #tpu.memory_space<hbm>>
    %dma_wait3A_70 = tpu.memref_squeeze %dma_wait3A_69 : memref<1x64xf32, #tpu.memory_space<hbm>> -> memref<64xf32, #tpu.memory_space<hbm>>
    %dma_wait3A_71 = tpu.memref_slice %arg11[%dma_wait3A_68, %mul3A_2] : memref<2x2048xf32, #tpu.memory_space<hbm>> -> memref<1x64xf32, #tpu.memory_space<hbm>>
    %dma_wait3A_72 = tpu.memref_squeeze %dma_wait3A_71 : memref<1x64xf32, #tpu.memory_space<hbm>> -> memref<64xf32, #tpu.memory_space<hbm>>
    tpu.wait_dma2 semaphore(%arg22 : memref<!tpu.dma_semaphore, #tpu.memory_space<semaphore_mem>>) src(%arg16 : memref<64xf32, #tpu.memory_space<vmem>>) dst(%dma_wait3A_72 : memref<64xf32, #tpu.memory_space<hbm>>)
    %dma_wait3A_73 = arith.constant 0 : i32
    %dma_wait3A_74 = tpu.memref_slice %arg12[%dma_wait3A_73, %mul3A_2] : memref<2x2048xf32, #tpu.memory_space<hbm>> -> memref<1x64xf32, #tpu.memory_space<hbm>>
    %dma_wait3A_75 = tpu.memref_squeeze %dma_wait3A_74 : memref<1x64xf32, #tpu.memory_space<hbm>> -> memref<64xf32, #tpu.memory_space<hbm>>
    %dma_wait3A_76 = tpu.memref_slice %arg12[%dma_wait3A_73, %mul3A_2] : memref<2x2048xf32, #tpu.memory_space<hbm>> -> memref<1x64xf32, #tpu.memory_space<hbm>>
    %dma_wait3A_77 = tpu.memref_squeeze %dma_wait3A_76 : memref<1x64xf32, #tpu.memory_space<hbm>> -> memref<64xf32, #tpu.memory_space<hbm>>
    tpu.wait_dma2 semaphore(%arg22 : memref<!tpu.dma_semaphore, #tpu.memory_space<semaphore_mem>>) src(%arg17 : memref<64xf32, #tpu.memory_space<vmem>>) dst(%dma_wait3A_77 : memref<64xf32, #tpu.memory_space<hbm>>)
    %dma_wait3A_78 = arith.constant 1 : i32
    %dma_wait3A_79 = tpu.memref_slice %arg10[%dma_wait3A_78, %mul3A_2] : memref<2x2048xf32, #tpu.memory_space<hbm>> -> memref<1x64xf32, #tpu.memory_space<hbm>>
    %dma_wait3A_80 = tpu.memref_squeeze %dma_wait3A_79 : memref<1x64xf32, #tpu.memory_space<hbm>> -> memref<64xf32, #tpu.memory_space<hbm>>
    %dma_wait3A_81 = tpu.memref_slice %arg10[%dma_wait3A_78, %mul3A_2] : memref<2x2048xf32, #tpu.memory_space<hbm>> -> memref<1x64xf32, #tpu.memory_space<hbm>>
    %dma_wait3A_82 = tpu.memref_squeeze %dma_wait3A_81 : memref<1x64xf32, #tpu.memory_space<hbm>> -> memref<64xf32, #tpu.memory_space<hbm>>
    tpu.wait_dma2 semaphore(%arg22 : memref<!tpu.dma_semaphore, #tpu.memory_space<semaphore_mem>>) src(%arg18 : memref<64xf32, #tpu.memory_space<vmem>>) dst(%dma_wait3A_82 : memref<64xf32, #tpu.memory_space<hbm>>)
    %dma_wait3A_83 = arith.constant 1 : i32
    %dma_wait3A_84 = tpu.memref_slice %arg11[%dma_wait3A_83, %mul3A_2] : memref<2x2048xf32, #tpu.memory_space<hbm>> -> memref<1x64xf32, #tpu.memory_space<hbm>>
    %dma_wait3A_85 = tpu.memref_squeeze %dma_wait3A_84 : memref<1x64xf32, #tpu.memory_space<hbm>> -> memref<64xf32, #tpu.memory_space<hbm>>
    %dma_wait3A_86 = tpu.memref_slice %arg11[%dma_wait3A_83, %mul3A_2] : memref<2x2048xf32, #tpu.memory_space<hbm>> -> memref<1x64xf32, #tpu.memory_space<hbm>>
    %dma_wait3A_87 = tpu.memref_squeeze %dma_wait3A_86 : memref<1x64xf32, #tpu.memory_space<hbm>> -> memref<64xf32, #tpu.memory_space<hbm>>
    tpu.wait_dma2 semaphore(%arg22 : memref<!tpu.dma_semaphore, #tpu.memory_space<semaphore_mem>>) src(%arg19 : memref<64xf32, #tpu.memory_space<vmem>>) dst(%dma_wait3A_87 : memref<64xf32, #tpu.memory_space<hbm>>)
    %dma_wait3A_88 = arith.constant 1 : i32
    %dma_wait3A_89 = tpu.memref_slice %arg12[%dma_wait3A_88, %mul3A_2] : memref<2x2048xf32, #tpu.memory_space<hbm>> -> memref<1x64xf32, #tpu.memory_space<hbm>>
    %dma_wait3A_90 = tpu.memref_squeeze %dma_wait3A_89 : memref<1x64xf32, #tpu.memory_space<hbm>> -> memref<64xf32, #tpu.memory_space<hbm>>
    %dma_wait3A_91 = tpu.memref_slice %arg12[%dma_wait3A_88, %mul3A_2] : memref<2x2048xf32, #tpu.memory_space<hbm>> -> memref<1x64xf32, #tpu.memory_space<hbm>>
    %dma_wait3A_92 = tpu.memref_squeeze %dma_wait3A_91 : memref<1x64xf32, #tpu.memory_space<hbm>> -> memref<64xf32, #tpu.memory_space<hbm>>
    tpu.wait_dma2 semaphore(%arg22 : memref<!tpu.dma_semaphore, #tpu.memory_space<semaphore_mem>>) src(%arg20 : memref<64xf32, #tpu.memory_space<vmem>>) dst(%dma_wait3A_92 : memref<64xf32, #tpu.memory_space<hbm>>)
    return
  }
}

module attributes {stable_mosaic.version = 14 : i64} {
  func.func @_transpose2_body(%arg0: i32, %arg1: memref<2048x256xf32, #tpu.memory_space<vmem>>, %arg2: memref<2048x256xf32, #tpu.memory_space<vmem>>, %arg3: memref<1x256x2048xf32, #tpu.memory_space<vmem>>) attributes {dimension_semantics = [#tpu.dimension_semantics<arbitrary>], iteration_bounds = array<i64: 2>, scalar_prefetch = 0 : i64, scratch_operands = 0 : i64, tpu.core_type = #tpu.core_type<tc>, window_params = [{pipeline_mode = #tpu.pipeline_mode<synchronous>, transform_indices = @transform_0, window_bounds = array<i64: 2048, 256>}, {pipeline_mode = #tpu.pipeline_mode<synchronous>, transform_indices = @transform_1, window_bounds = array<i64: 2048, 256>}, {transform_indices = @transform_2, window_bounds = array<i64: 1, 256, 2048>}]} {
    %eq3A = arith.constant 0 : i32
    %eq3A_0 = arith.cmpi eq, %arg0, %eq3A : i32
    %convert_element_type3A = arith.extui %eq3A_0 : i1 to i32
    %cond3A = arith.constant 0 : i32
    %cond3A_1 = arith.cmpi ne, %convert_element_type3A, %cond3A : i32
    %cond3A_2 = scf.if %cond3A_1 -> (vector<256x2048xf32>) {
      %get3A = arith.constant 0 : index
      %get3A_8 = arith.constant 0 : index
      %get3A_9 = vector.load %arg2[%get3A, %get3A_8] : memref<2048x256xf32, #tpu.memory_space<vmem>>, vector<2048x256xf32>
      %transpose3A = tpu.transpose %get3A_9, [1, 0] : vector<2048x256xf32> -> vector<256x2048xf32>
      scf.yield %transpose3A : vector<256x2048xf32>
    } else {
      %get3A = arith.constant 0 : index
      %get3A_8 = arith.constant 0 : index
      %get3A_9 = vector.load %arg1[%get3A, %get3A_8] : memref<2048x256xf32, #tpu.memory_space<vmem>>, vector<2048x256xf32>
      %transpose3A = tpu.transpose %get3A_9, [1, 0] : vector<2048x256xf32> -> vector<256x2048xf32>
      scf.yield %transpose3A : vector<256x2048xf32>
    }
    %swap3A = arith.constant 0 : index
    %swap3A_3 = arith.constant 0 : index
    %swap3A_4 = arith.constant 0 : index
    %swap3A_5 = vector.load %arg3[%swap3A, %swap3A_3, %swap3A_4] : memref<1x256x2048xf32, #tpu.memory_space<vmem>>, vector<1x256x2048xf32>
    %swap3A_6 = vector.shape_cast %swap3A_5 : vector<1x256x2048xf32> to vector<256x2048xf32>
    %swap3A_7 = vector.shape_cast %cond3A_2 : vector<256x2048xf32> to vector<1x256x2048xf32>
    tpu.vector_store %arg3[%swap3A, %swap3A_3, %swap3A_4], %swap3A_7 {strides = array<i32>} : memref<1x256x2048xf32, #tpu.memory_space<vmem>>, vector<1x256x2048xf32>,
    return
  }
  func.func @transform_0(%arg0: i32) -> (i32, i32) {
    %c0_i32 = arith.constant 0 : i32
    %c0_i32_0 = arith.constant 0 : i32
    %c0_i32_1 = arith.constant 0 : i32
    return %c0_i32, %c0_i32_0 : i32, i32
  }
  func.func @transform_1(%arg0: i32) -> (i32, i32) {
    %c0_i32 = arith.constant 0 : i32
    %c0_i32_0 = arith.constant 0 : i32
    %c0_i32_1 = arith.constant 0 : i32
    return %c0_i32, %c0_i32_0 : i32, i32
  }
  func.func @transform_2(%arg0: i32) -> (i32, i32, i32) {
    %c0_i32 = arith.constant 0 : i32
    %c0_i32_0 = arith.constant 0 : i32
    %c0_i32_1 = arith.constant 0 : i32
    return %arg0, %c0_i32, %c0_i32_0 : i32, i32, i32
  }
}

module attributes {stable_mosaic.version = 14 : i64} {
  func.func @_tc_body(%arg0: i32, %arg1: i32, %arg2: memref<2048x256xf32, #tpu.memory_space<vmem>>, %arg3: memref<2048x256xf32, #tpu.memory_space<vmem>>, %arg4: memref<1x256x2048xf32, #tpu.memory_space<vmem>>, %arg5: memref<2x2048xf32, #tpu.memory_space<vmem>>, %arg6: memref<2x2048xf32, #tpu.memory_space<vmem>>, %arg7: memref<2x2048xf32, #tpu.memory_space<vmem>>, %arg8: memref<1x1xf32, #tpu.memory_space<smem>>, %arg9: memref<1x1xf32, #tpu.memory_space<smem>>, %arg10: memref<1x1xf32, #tpu.memory_space<smem>>, %arg11: memref<1x1xf32, #tpu.memory_space<smem>>, %arg12: memref<1x1xf32, #tpu.memory_space<smem>>, %arg13: memref<1x1xf32, #tpu.memory_space<smem>>, %arg14: memref<1x1xf32, #tpu.memory_space<smem>>, %arg15: memref<1x1xf32, #tpu.memory_space<smem>>, %arg16: memref<8xf32, #tpu.memory_space<smem>>) attributes {dimension_semantics = [#tpu.dimension_semantics<arbitrary>, #tpu.dimension_semantics<arbitrary>], iteration_bounds = array<i64: 2, 1>, scalar_prefetch = 0 : i64, scratch_operands = 1 : i64, tpu.core_type = #tpu.core_type<tc>, window_params = [{pipeline_mode = #tpu.pipeline_mode<synchronous>, transform_indices = @transform_0, window_bounds = array<i64: 2048, 256>}, {pipeline_mode = #tpu.pipeline_mode<synchronous>, transform_indices = @transform_1, window_bounds = array<i64: 2048, 256>}, {transform_indices = @transform_2, window_bounds = array<i64: 1, 256, 2048>}, {pipeline_mode = #tpu.pipeline_mode<synchronous>, transform_indices = @transform_3, window_bounds = array<i64: 2, 2048>}, {pipeline_mode = #tpu.pipeline_mode<synchronous>, transform_indices = @transform_4, window_bounds = array<i64: 2, 2048>}, {pipeline_mode = #tpu.pipeline_mode<synchronous>, transform_indices = @transform_5, window_bounds = array<i64: 2, 2048>}, {transform_indices = @transform_6, window_bounds = array<i64: 1, 1>}, {transform_indices = @transform_7, window_bounds = array<i64: 1, 1>}, {transform_indices = @transform_8, window_bounds = array<i64: 1, 1>}, {transform_indices = @transform_9, window_bounds = array<i64: 1, 1>}, {transform_indices = @transform_10, window_bounds = array<i64: 1, 1>}, {transform_indices = @transform_11, window_bounds = array<i64: 1, 1>}, {transform_indices = @transform_12, window_bounds = array<i64: 1, 1>}, {transform_indices = @transform_13, window_bounds = array<i64: 1, 1>}]} {
    %mul3A = arith.constant 2048 : i32
    %mul3A_0 = arith.muli %arg1, %mul3A : i32
    %eq3A = arith.constant 0 : i32
    %eq3A_1 = arith.cmpi eq, %arg0, %eq3A : i32
    %convert_element_type3A = arith.extui %eq3A_1 : i1 to i32
    %cond3A = arith.constant 0 : i32
    %cond3A_2 = arith.cmpi ne, %convert_element_type3A, %cond3A : i32
    %cond3A_3:4 = scf.if %cond3A_2 -> (vector<2048x256xf32>, vector<2048xf32>, vector<2048xf32>, vector<2048xf32>) {
      %get3A_120 = arith.index_cast %mul3A_0 : i32 to index
      %get3A_121 = arith.constant 0 : index
      %get3A_122 = vector.load %arg2[%get3A_120, %get3A_121] : memref<2048x256xf32, #tpu.memory_space<vmem>>, vector<2048x256xf32>
      %get3A_123 = arith.constant 0 : index
      %get3A_124 = arith.index_cast %mul3A_0 : i32 to index
      %get3A_125 = vector.load %arg5[%get3A_123, %get3A_124] : memref<2x2048xf32, #tpu.memory_space<vmem>>, vector<1x2048xf32>
      %get3A_126 = vector.shape_cast %get3A_125 : vector<1x2048xf32> to vector<2048xf32>
      %get3A_127 = arith.constant 0 : index
      %get3A_128 = arith.index_cast %mul3A_0 : i32 to index
      %get3A_129 = vector.load %arg6[%get3A_127, %get3A_128] : memref<2x2048xf32, #tpu.memory_space<vmem>>, vector<1x2048xf32>
      %get3A_130 = vector.shape_cast %get3A_129 : vector<1x2048xf32> to vector<2048xf32>
      %get3A_131 = arith.constant 0 : index
      %get3A_132 = arith.index_cast %mul3A_0 : i32 to index
      %get3A_133 = vector.load %arg7[%get3A_131, %get3A_132] : memref<2x2048xf32, #tpu.memory_space<vmem>>, vector<1x2048xf32>
      %get3A_134 = vector.shape_cast %get3A_133 : vector<1x2048xf32> to vector<2048xf32>
      scf.yield %get3A_122, %get3A_126, %get3A_130, %get3A_134 : vector<2048x256xf32>, vector<2048xf32>, vector<2048xf32>, vector<2048xf32>
    } else {
      %get3A_120 = arith.index_cast %mul3A_0 : i32 to index
      %get3A_121 = arith.constant 0 : index
      %get3A_122 = vector.load %arg3[%get3A_120, %get3A_121] : memref<2048x256xf32, #tpu.memory_space<vmem>>, vector<2048x256xf32>
      %get3A_123 = arith.constant 1 : index
      %get3A_124 = arith.index_cast %mul3A_0 : i32 to index
      %get3A_125 = vector.load %arg5[%get3A_123, %get3A_124] : memref<2x2048xf32, #tpu.memory_space<vmem>>, vector<1x2048xf32>
      %get3A_126 = vector.shape_cast %get3A_125 : vector<1x2048xf32> to vector<2048xf32>
      %get3A_127 = arith.constant 1 : index
      %get3A_128 = arith.index_cast %mul3A_0 : i32 to index
      %get3A_129 = vector.load %arg6[%get3A_127, %get3A_128] : memref<2x2048xf32, #tpu.memory_space<vmem>>, vector<1x2048xf32>
      %get3A_130 = vector.shape_cast %get3A_129 : vector<1x2048xf32> to vector<2048xf32>
      %get3A_131 = arith.constant 1 : index
      %get3A_132 = arith.index_cast %mul3A_0 : i32 to index
      %get3A_133 = vector.load %arg7[%get3A_131, %get3A_132] : memref<2x2048xf32, #tpu.memory_space<vmem>>, vector<1x2048xf32>
      %get3A_134 = vector.shape_cast %get3A_133 : vector<1x2048xf32> to vector<2048xf32>
      scf.yield %get3A_122, %get3A_126, %get3A_130, %get3A_134 : vector<2048x256xf32>, vector<2048xf32>, vector<2048xf32>, vector<2048xf32>
    }
    %get3A = arith.constant 0 : index
    %get3A_4 = arith.constant 0 : index
    %get3A_5 = arith.constant 0 : index
    %get3A_6 = vector.load %arg4[%get3A, %get3A_4, %get3A_5] : memref<1x256x2048xf32, #tpu.memory_space<vmem>>, vector<1x256x2048xf32>
    %get3A_7 = vector.shape_cast %get3A_6 : vector<1x256x2048xf32> to vector<256x2048xf32>
    %dot_general3A = arith.constant dense<0.000000e+00> : vector<2048x2048xf32>
    %dot_general3A_8 = tpu.matmul %cond3A_3#0, %get3A_7, %dot_general3A {dimension_numbers = #tpu.dot_dimension_numbers<[1], [0], [0], [1], [0, 0, 1, 1], [], []>, transpose_lhs_hint = false} : vector<2048x256xf32>, vector<256x2048xf32>, vector<2048x2048xf32> -> vector<2048x2048xf32>
    %iota3A = tpu.iota {dimensions = array<i32: 1>} : vector<2048x2048xi32>
    %iota3A_9 = tpu.iota {dimensions = array<i32: 0>} : vector<2048x2048xi32>
    %add3A = vector.broadcast %mul3A_0 : i32 to vector<2048x2048xi32>
    %add3A_10 = arith.addi %add3A, %iota3A_9 : vector<2048x2048xi32>
    %eq3A_11 = arith.cmpi eq, %iota3A, %add3A_10 : vector<2048x2048xi32>
    %jit3A = arith.constant 0.000000e+00 : f32
    %broadcast_in_dim3A = vector.broadcast %jit3A : f32 to vector<2048x2048xf32>
    %select_n3A = arith.select %eq3A_11, %dot_general3A_8, %broadcast_in_dim3A : vector<2048x2048xi1>, vector<2048x2048xf32>
    %reduce_sum3A = arith.constant dense<0.000000e+00> : vector<2048xf32>
    %reduce_sum3A_12 = vector.multi_reduction <add>, %select_n3A, %reduce_sum3A [1] : vector<2048x2048xf32> to vector<2048xf32>
    %div3A = arith.constant 1.000000e+00 : f32
    %div3A_13 = vector.broadcast %div3A : f32 to vector<2048xf32>
    %div3A_14 = arith.divf %div3A_13, %cond3A_3#1 : vector<2048xf32>
    %reduce_max3A = arith.constant dense<0xFF800000> : vector<2048xf32>
    %reduce_max3A_15 = vector.multi_reduction <maximumf>, %dot_general3A_8, %reduce_max3A [1] : vector<2048x2048xf32> to vector<2048xf32>
    %sub3A = arith.subf %reduce_max3A_15, %reduce_sum3A_12 : vector<2048xf32>
    %mul3A_16 = arith.mulf %sub3A, %div3A_14 : vector<2048xf32>
    %max3A = arith.maximumf %cond3A_3#3, %mul3A_16 : vector<2048xf32>
    %broadcast_in_dim3A_17 = vector.shape_cast %reduce_sum3A_12 : vector<2048xf32> to vector<2048x1xf32>
    %sub3A_18 = vector.broadcast %broadcast_in_dim3A_17 : vector<2048x1xf32> to vector<2048x2048xf32>
    %sub3A_19 = arith.subf %dot_general3A_8, %sub3A_18 : vector<2048x2048xf32>
    %broadcast_in_dim3A_20 = vector.shape_cast %div3A_14 : vector<2048xf32> to vector<2048x1xf32>
    %mul3A_21 = vector.broadcast %broadcast_in_dim3A_20 : vector<2048x1xf32> to vector<2048x2048xf32>
    %mul3A_22 = arith.mulf %sub3A_19, %mul3A_21 : vector<2048x2048xf32>
    %broadcast_in_dim3A_23 = vector.shape_cast %max3A : vector<2048xf32> to vector<2048x1xf32>
    %sub3A_24 = vector.broadcast %broadcast_in_dim3A_23 : vector<2048x1xf32> to vector<2048x2048xf32>
    %sub3A_25 = arith.subf %mul3A_22, %sub3A_24 : vector<2048x2048xf32>
    %exp3A = math.exp %sub3A_25 : vector<2048x2048xf32>
    %jit3A_26 = arith.constant 0.000000e+00 : f32
    %broadcast_in_dim3A_27 = vector.broadcast %jit3A_26 : f32 to vector<2048x2048xf32>
    %select_n3A_28 = arith.select %eq3A_11, %broadcast_in_dim3A_27, %exp3A : vector<2048x2048xi1>, vector<2048x2048xf32>
    %reduce_sum3A_29 = arith.constant dense<0.000000e+00> : vector<2048xf32>
    %reduce_sum3A_30 = vector.multi_reduction <add>, %select_n3A_28, %reduce_sum3A_29 [1] : vector<2048x2048xf32> to vector<2048xf32>
    %mul3A_31 = arith.mulf %select_n3A_28, %sub3A_19 : vector<2048x2048xf32>
    %reduce_sum3A_32 = arith.constant dense<0.000000e+00> : vector<2048xf32>
    %reduce_sum3A_33 = vector.multi_reduction <add>, %mul3A_31, %reduce_sum3A_32 [1] : vector<2048x2048xf32> to vector<2048xf32>
    %mul3A_34 = arith.constant 2.000000e-01 : f32
    %mul3A_35 = vector.broadcast %mul3A_34 : f32 to vector<2048xf32>
    %mul3A_36 = arith.mulf %mul3A_35, %cond3A_3#2 : vector<2048xf32>
    %sub3A_37 = arith.subf %cond3A_3#3, %max3A : vector<2048xf32>
    %exp3A_38 = math.exp %sub3A_37 : vector<2048xf32>
    %mul3A_39 = arith.mulf %mul3A_36, %exp3A_38 : vector<2048xf32>
    %mul3A_40 = arith.constant 8.000000e-01 : f32
    %mul3A_41 = vector.broadcast %mul3A_40 : f32 to vector<2048xf32>
    %mul3A_42 = arith.mulf %mul3A_41, %reduce_sum3A_30 : vector<2048xf32>
    %add3A_43 = arith.addf %mul3A_39, %mul3A_42 : vector<2048xf32>
    %get3A_44 = arith.constant 0 : index
    %get3A_45 = arith.constant 0 : index
    %get3A_46 = memref.load %arg8[%get3A_44, %get3A_45] : memref<1x1xf32, #tpu.memory_space<smem>>
    %mul3A_47 = vector.broadcast %get3A_46 : f32 to vector<2048xf32>
    %mul3A_48 = arith.mulf %mul3A_47, %reduce_sum3A_30 : vector<2048xf32>
    %sub3A_49 = arith.constant 1.000000e+00 : f32
    %sub3A_50 = arith.subf %sub3A_49, %get3A_46 : f32
    %mul3A_51 = vector.broadcast %sub3A_50 : f32 to vector<2048xf32>
    %mul3A_52 = arith.mulf %mul3A_51, %add3A_43 : vector<2048xf32>
    %add3A_53 = arith.addf %mul3A_48, %mul3A_52 : vector<2048xf32>
    %max3A_54 = arith.constant 9.99999982E-15 : f32
    %max3A_55 = vector.broadcast %max3A_54 : f32 to vector<2048xf32>
    %max3A_56 = arith.maximumf %add3A_53, %max3A_55 : vector<2048xf32>
    %div3A_57 = arith.constant 1.000000e+00 : f32
    %div3A_58 = vector.broadcast %div3A_57 : f32 to vector<2048xf32>
    %div3A_59 = arith.divf %div3A_58, %max3A_56 : vector<2048xf32>
    %mul3A_60 = arith.mulf %reduce_sum3A_33, %div3A_59 : vector<2048xf32>
    %mul3A_61 = arith.mulf %mul3A_60, %div3A_14 : vector<2048xf32>
    %div3A_62 = arith.constant 2.047000e+03 : f32
    %div3A_63 = vector.broadcast %div3A_62 : f32 to vector<2048xf32>
    %div3A_64 = arith.divf %max3A_56, %div3A_63 : vector<2048xf32>
    %log3A = math.log %div3A_64 : vector<2048xf32>
    %add3A_65 = arith.addf %log3A, %max3A : vector<2048xf32>
    %add3A_66 = arith.constant 8.000000e+00 : f32
    %add3A_67 = vector.broadcast %add3A_66 : f32 to vector<2048xf32>
    %add3A_68 = arith.addf %add3A_65, %add3A_67 : vector<2048xf32>
    %sub3A_69 = arith.subf %add3A_68, %mul3A_61 : vector<2048xf32>
    %jit3A_70 = arith.constant -5.000000e+00 : f32
    %jit3A_71 = arith.constant 5.000000e+00 : f32
    %max3A_72 = vector.broadcast %jit3A_70 : f32 to vector<2048xf32>
    %max3A_73 = arith.maximumf %max3A_72, %sub3A_69 : vector<2048xf32>
    %min3A = vector.broadcast %jit3A_71 : f32 to vector<2048xf32>
    %min3A_74 = arith.minimumf %min3A, %max3A_73 : vector<2048xf32>
    %reduce_sum3A_75 = vector.shape_cast %mul3A_60 : vector<2048xf32> to vector<1x2048xf32>
    %reduce_sum3A_76 = arith.constant dense<0.000000e+00> : vector<1xf32>
    %reduce_sum3A_77 = vector.multi_reduction <add>, %reduce_sum3A_75, %reduce_sum3A_76 [1] : vector<1x2048xf32> to vector<1xf32>
    %reduce_sum3A_78 = vector.shape_cast %reduce_sum3A_77 : vector<1xf32> to vector<1x1xf32>
    %reduce_sum3A_79 = vector.extract %reduce_sum3A_78[0, 0] : f32 from vector<1x1xf32>
    %reduce_sum3A_80 = vector.shape_cast %min3A_74 : vector<2048xf32> to vector<1x2048xf32>
    %reduce_sum3A_81 = arith.constant dense<0.000000e+00> : vector<1xf32>
    %reduce_sum3A_82 = vector.multi_reduction <add>, %reduce_sum3A_80, %reduce_sum3A_81 [1] : vector<1x2048xf32> to vector<1xf32>
    %reduce_sum3A_83 = vector.shape_cast %reduce_sum3A_82 : vector<1xf32> to vector<1x1xf32>
    %reduce_sum3A_84 = vector.extract %reduce_sum3A_83[0, 0] : f32 from vector<1x1xf32>
    %reduce_max3A_85 = vector.shape_cast %min3A_74 : vector<2048xf32> to vector<1x2048xf32>
    %reduce_max3A_86 = arith.constant dense<0xFF800000> : vector<1xf32>
    %reduce_max3A_87 = vector.multi_reduction <maximumf>, %reduce_max3A_85, %reduce_max3A_86 [1] : vector<1x2048xf32> to vector<1xf32>
    %reduce_max3A_88 = vector.shape_cast %reduce_max3A_87 : vector<1xf32> to vector<1x1xf32>
    %reduce_max3A_89 = vector.extract %reduce_max3A_88[0, 0] : f32 from vector<1x1xf32>
    %reduce_min3A = vector.shape_cast %min3A_74 : vector<2048xf32> to vector<1x2048xf32>
    %reduce_min3A_90 = arith.constant dense<0x7F800000> : vector<1xf32>
    %reduce_min3A_91 = vector.multi_reduction <minimumf>, %reduce_min3A, %reduce_min3A_90 [1] : vector<1x2048xf32> to vector<1xf32>
    %reduce_min3A_92 = vector.shape_cast %reduce_min3A_91 : vector<1xf32> to vector<1x1xf32>
    %reduce_min3A_93 = vector.extract %reduce_min3A_92[0, 0] : f32 from vector<1x1xf32>
    %reduce_sum3A_94 = vector.shape_cast %cond3A_3#1 : vector<2048xf32> to vector<1x2048xf32>
    %reduce_sum3A_95 = arith.constant dense<0.000000e+00> : vector<1xf32>
    %reduce_sum3A_96 = vector.multi_reduction <add>, %reduce_sum3A_94, %reduce_sum3A_95 [1] : vector<1x2048xf32> to vector<1xf32>
    %reduce_sum3A_97 = vector.shape_cast %reduce_sum3A_96 : vector<1xf32> to vector<1x1xf32>
    %reduce_sum3A_98 = vector.extract %reduce_sum3A_97[0, 0] : f32 from vector<1x1xf32>
    %eq3A_99 = arith.constant 0 : i32
    %eq3A_100 = arith.cmpi eq, %arg0, %eq3A_99 : i32
    %eq3A_101 = arith.constant 0 : i32
    %eq3A_102 = arith.cmpi eq, %arg1, %eq3A_101 : i32
    %and3A = arith.andi %eq3A_100, %eq3A_102 : i1
    %convert_element_type3A_103 = arith.extui %and3A : i1 to i32
    %cond3A_104 = arith.constant 0 : i32
    %cond3A_105 = arith.cmpi ne, %convert_element_type3A_103, %cond3A_104 : i32
    scf.if %cond3A_105 {
      %swap3A = arith.constant 0 : index
      %swap3A_120 = memref.load %arg16[%swap3A] : memref<8xf32, #tpu.memory_space<smem>>
      memref.store %reduce_sum3A_79, %arg16[%swap3A] : memref<8xf32, #tpu.memory_space<smem>>
      %swap3A_121 = arith.constant 1 : index
      %swap3A_122 = memref.load %arg16[%swap3A_121] : memref<8xf32, #tpu.memory_space<smem>>
      memref.store %reduce_sum3A_84, %arg16[%swap3A_121] : memref<8xf32, #tpu.memory_space<smem>>
      %swap3A_123 = arith.constant 0.000000e+00 : f32
      %swap3A_124 = arith.constant 2 : index
      %swap3A_125 = memref.load %arg16[%swap3A_124] : memref<8xf32, #tpu.memory_space<smem>>
      memref.store %swap3A_123, %arg16[%swap3A_124] : memref<8xf32, #tpu.memory_space<smem>>
      %swap3A_126 = arith.constant 3 : index
      %swap3A_127 = memref.load %arg16[%swap3A_126] : memref<8xf32, #tpu.memory_space<smem>>
      memref.store %reduce_max3A_89, %arg16[%swap3A_126] : memref<8xf32, #tpu.memory_space<smem>>
      %swap3A_128 = arith.constant 4 : index
      %swap3A_129 = memref.load %arg16[%swap3A_128] : memref<8xf32, #tpu.memory_space<smem>>
      memref.store %reduce_min3A_93, %arg16[%swap3A_128] : memref<8xf32, #tpu.memory_space<smem>>
      %swap3A_130 = arith.constant 5 : index
      %swap3A_131 = memref.load %arg16[%swap3A_130] : memref<8xf32, #tpu.memory_space<smem>>
      memref.store %reduce_sum3A_98, %arg16[%swap3A_130] : memref<8xf32, #tpu.memory_space<smem>>
      %swap3A_132 = arith.constant 0.000000e+00 : f32
      %swap3A_133 = arith.constant 6 : index
      %swap3A_134 = memref.load %arg16[%swap3A_133] : memref<8xf32, #tpu.memory_space<smem>>
      memref.store %swap3A_132, %arg16[%swap3A_133] : memref<8xf32, #tpu.memory_space<smem>>
    } else {
    }
    %ne3A = arith.constant 0 : i32
    %ne3A_106 = arith.cmpi ne, %arg0, %ne3A : i32
    %ne3A_107 = arith.constant 0 : i32
    %ne3A_108 = arith.cmpi ne, %arg1, %ne3A_107 : i32
    %or3A = arith.ori %ne3A_106, %ne3A_108 : i1
    %convert_element_type3A_109 = arith.extui %or3A : i1 to i32
    %cond3A_110 = arith.constant 0 : i32
    %cond3A_111 = arith.cmpi ne, %convert_element_type3A_109, %cond3A_110 : i32
    scf.if %cond3A_111 {
      %get3A_120 = arith.constant 0 : index
      %get3A_121 = memref.load %arg16[%get3A_120] : memref<8xf32, #tpu.memory_space<smem>>
      %add3A_122 = arith.addf %get3A_121, %reduce_sum3A_79 : f32
      %swap3A = arith.constant 0 : index
      %swap3A_123 = memref.load %arg16[%swap3A] : memref<8xf32, #tpu.memory_space<smem>>
      memref.store %add3A_122, %arg16[%swap3A] : memref<8xf32, #tpu.memory_space<smem>>
      %add3A_124 = arith.constant 1 : i32
      %add3A_125 = arith.addi %add3A_124, %arg0 : i32
      %get3A_126 = arith.index_cast %add3A_125 : i32 to index
      %get3A_127 = memref.load %arg16[%get3A_126] : memref<8xf32, #tpu.memory_space<smem>>
      %add3A_128 = arith.addf %get3A_127, %reduce_sum3A_84 : f32
      %swap3A_129 = arith.index_cast %add3A_125 : i32 to index
      %swap3A_130 = memref.load %arg16[%swap3A_129] : memref<8xf32, #tpu.memory_space<smem>>
      memref.store %add3A_128, %arg16[%swap3A_129] : memref<8xf32, #tpu.memory_space<smem>>
      %add3A_131 = arith.constant 5 : i32
      %add3A_132 = arith.addi %add3A_131, %arg0 : i32
      %get3A_133 = arith.index_cast %add3A_132 : i32 to index
      %get3A_134 = memref.load %arg16[%get3A_133] : memref<8xf32, #tpu.memory_space<smem>>
      %add3A_135 = arith.addf %get3A_134, %reduce_sum3A_98 : f32
      %swap3A_136 = arith.index_cast %add3A_132 : i32 to index
      %swap3A_137 = memref.load %arg16[%swap3A_136] : memref<8xf32, #tpu.memory_space<smem>>
      memref.store %add3A_135, %arg16[%swap3A_136] : memref<8xf32, #tpu.memory_space<smem>>
      %eq3A_138 = arith.constant 0 : i32
      %eq3A_139 = arith.cmpi eq, %arg0, %eq3A_138 : i32
      %convert_element_type3A_140 = arith.extui %eq3A_139 : i1 to i32
      %cond3A_141 = arith.constant 0 : i32
      %cond3A_142 = arith.cmpi ne, %convert_element_type3A_140, %cond3A_141 : i32
      scf.if %cond3A_142 {
        %get3A_143 = arith.constant 3 : index
        %get3A_144 = memref.load %arg16[%get3A_143] : memref<8xf32, #tpu.memory_space<smem>>
        %max3A_145 = arith.maximumf %get3A_144, %reduce_max3A_89 : f32
        %swap3A_146 = arith.constant 3 : index
        %swap3A_147 = memref.load %arg16[%swap3A_146] : memref<8xf32, #tpu.memory_space<smem>>
        memref.store %max3A_145, %arg16[%swap3A_146] : memref<8xf32, #tpu.memory_space<smem>>
        %get3A_148 = arith.constant 4 : index
        %get3A_149 = memref.load %arg16[%get3A_148] : memref<8xf32, #tpu.memory_space<smem>>
        %min3A_150 = arith.minimumf %get3A_149, %reduce_min3A_93 : f32
        %swap3A_151 = arith.constant 4 : index
        %swap3A_152 = memref.load %arg16[%swap3A_151] : memref<8xf32, #tpu.memory_space<smem>>
        memref.store %min3A_150, %arg16[%swap3A_151] : memref<8xf32, #tpu.memory_space<smem>>
      } else {
      }
    } else {
    }
    %eq3A_112 = arith.constant 1 : i32
    %eq3A_113 = arith.cmpi eq, %arg0, %eq3A_112 : i32
    %eq3A_114 = arith.constant 0 : i32
    %eq3A_115 = arith.cmpi eq, %arg1, %eq3A_114 : i32
    %and3A_116 = arith.andi %eq3A_113, %eq3A_115 : i1
    %convert_element_type3A_117 = arith.extui %and3A_116 : i1 to i32
    %cond3A_118 = arith.constant 0 : i32
    %cond3A_119 = arith.cmpi ne, %convert_element_type3A_117, %cond3A_118 : i32
    scf.if %cond3A_119 {
      %get3A_120 = arith.constant 0 : index
      %get3A_121 = memref.load %arg16[%get3A_120] : memref<8xf32, #tpu.memory_space<smem>>
      %mul3A_122 = arith.constant 4.8828125E-4 : f32
      %mul3A_123 = arith.mulf %get3A_121, %mul3A_122 : f32
      %swap3A = arith.constant 0 : index
      %swap3A_124 = arith.constant 0 : index
      %swap3A_125 = memref.load %arg9[%swap3A, %swap3A_124] : memref<1x1xf32, #tpu.memory_space<smem>>
      memref.store %mul3A_123, %arg9[%swap3A, %swap3A_124] : memref<1x1xf32, #tpu.memory_space<smem>>
      %get3A_126 = arith.constant 5 : index
      %get3A_127 = memref.load %arg16[%get3A_126] : memref<8xf32, #tpu.memory_space<smem>>
      %mul3A_128 = arith.constant 4.8828125E-4 : f32
      %mul3A_129 = arith.mulf %get3A_127, %mul3A_128 : f32
      %swap3A_130 = arith.constant 0 : index
      %swap3A_131 = arith.constant 0 : index
      %swap3A_132 = memref.load %arg10[%swap3A_130, %swap3A_131] : memref<1x1xf32, #tpu.memory_space<smem>>
      memref.store %mul3A_129, %arg10[%swap3A_130, %swap3A_131] : memref<1x1xf32, #tpu.memory_space<smem>>
      %get3A_133 = arith.constant 6 : index
      %get3A_134 = memref.load %arg16[%get3A_133] : memref<8xf32, #tpu.memory_space<smem>>
      %mul3A_135 = arith.constant 4.8828125E-4 : f32
      %mul3A_136 = arith.mulf %get3A_134, %mul3A_135 : f32
      %swap3A_137 = arith.constant 0 : index
      %swap3A_138 = arith.constant 0 : index
      %swap3A_139 = memref.load %arg11[%swap3A_137, %swap3A_138] : memref<1x1xf32, #tpu.memory_space<smem>>
      memref.store %mul3A_136, %arg11[%swap3A_137, %swap3A_138] : memref<1x1xf32, #tpu.memory_space<smem>>
      %get3A_140 = arith.constant 1 : index
      %get3A_141 = memref.load %arg16[%get3A_140] : memref<8xf32, #tpu.memory_space<smem>>
      %mul3A_142 = arith.constant 4.8828125E-4 : f32
      %mul3A_143 = arith.mulf %get3A_141, %mul3A_142 : f32
      %swap3A_144 = arith.constant 0 : index
      %swap3A_145 = arith.constant 0 : index
      %swap3A_146 = memref.load %arg12[%swap3A_144, %swap3A_145] : memref<1x1xf32, #tpu.memory_space<smem>>
      memref.store %mul3A_143, %arg12[%swap3A_144, %swap3A_145] : memref<1x1xf32, #tpu.memory_space<smem>>
      %get3A_147 = arith.constant 2 : index
      %get3A_148 = memref.load %arg16[%get3A_147] : memref<8xf32, #tpu.memory_space<smem>>
      %mul3A_149 = arith.constant 4.8828125E-4 : f32
      %mul3A_150 = arith.mulf %get3A_148, %mul3A_149 : f32
      %swap3A_151 = arith.constant 0 : index
      %swap3A_152 = arith.constant 0 : index
      %swap3A_153 = memref.load %arg13[%swap3A_151, %swap3A_152] : memref<1x1xf32, #tpu.memory_space<smem>>
      memref.store %mul3A_150, %arg13[%swap3A_151, %swap3A_152] : memref<1x1xf32, #tpu.memory_space<smem>>
      %get3A_154 = arith.constant 3 : index
      %get3A_155 = memref.load %arg16[%get3A_154] : memref<8xf32, #tpu.memory_space<smem>>
      %swap3A_156 = arith.constant 0 : index
      %swap3A_157 = arith.constant 0 : index
      %swap3A_158 = memref.load %arg14[%swap3A_156, %swap3A_157] : memref<1x1xf32, #tpu.memory_space<smem>>
      memref.store %get3A_155, %arg14[%swap3A_156, %swap3A_157] : memref<1x1xf32, #tpu.memory_space<smem>>
      %get3A_159 = arith.constant 4 : index
      %get3A_160 = memref.load %arg16[%get3A_159] : memref<8xf32, #tpu.memory_space<smem>>
      %swap3A_161 = arith.constant 0 : index
      %swap3A_162 = arith.constant 0 : index
      %swap3A_163 = memref.load %arg15[%swap3A_161, %swap3A_162] : memref<1x1xf32, #tpu.memory_space<smem>>
      memref.store %get3A_160, %arg15[%swap3A_161, %swap3A_162] : memref<1x1xf32, #tpu.memory_space<smem>>
    } else {
    }
    return
  }
  func.func @transform_0(%arg0: i32, %arg1: i32) -> (i32, i32) {
    %c0_i32 = arith.constant 0 : i32
    %c0_i32_0 = arith.constant 0 : i32
    %c0_i32_1 = arith.constant 0 : i32
    return %c0_i32, %c0_i32_0 : i32, i32
  }
  func.func @transform_1(%arg0: i32, %arg1: i32) -> (i32, i32) {
    %c0_i32 = arith.constant 0 : i32
    %c0_i32_0 = arith.constant 0 : i32
    %c0_i32_1 = arith.constant 0 : i32
    return %c0_i32, %c0_i32_0 : i32, i32
  }
  func.func @transform_2(%arg0: i32, %arg1: i32) -> (i32, i32, i32) {
    %c0_i32 = arith.constant 0 : i32
    %c0_i32_0 = arith.constant 0 : i32
    %c0_i32_1 = arith.constant 0 : i32
    return %arg0, %c0_i32, %c0_i32_0 : i32, i32, i32
  }
  func.func @transform_3(%arg0: i32, %arg1: i32) -> (i32, i32) {
    %c0_i32 = arith.constant 0 : i32
    %c0_i32_0 = arith.constant 0 : i32
    %c0_i32_1 = arith.constant 0 : i32
    return %c0_i32, %c0_i32_0 : i32, i32
  }
  func.func @transform_4(%arg0: i32, %arg1: i32) -> (i32, i32) {
    %c0_i32 = arith.constant 0 : i32
    %c0_i32_0 = arith.constant 0 : i32
    %c0_i32_1 = arith.constant 0 : i32
    return %c0_i32, %c0_i32_0 : i32, i32
  }
  func.func @transform_5(%arg0: i32, %arg1: i32) -> (i32, i32) {
    %c0_i32 = arith.constant 0 : i32
    %c0_i32_0 = arith.constant 0 : i32
    %c0_i32_1 = arith.constant 0 : i32
    return %c0_i32, %c0_i32_0 : i32, i32
  }
  func.func @transform_6(%arg0: i32, %arg1: i32) -> (i32, i32) {
    %c0_i32 = arith.constant 0 : i32
    %c0_i32_0 = arith.constant 0 : i32
    %c0_i32_1 = arith.constant 0 : i32
    return %c0_i32, %c0_i32_0 : i32, i32
  }
  func.func @transform_7(%arg0: i32, %arg1: i32) -> (i32, i32) {
    %c0_i32 = arith.constant 0 : i32
    %c0_i32_0 = arith.constant 0 : i32
    %c0_i32_1 = arith.constant 0 : i32
    return %c0_i32, %c0_i32_0 : i32, i32
  }
  func.func @transform_8(%arg0: i32, %arg1: i32) -> (i32, i32) {
    %c0_i32 = arith.constant 0 : i32
    %c0_i32_0 = arith.constant 0 : i32
    %c0_i32_1 = arith.constant 0 : i32
    return %c0_i32, %c0_i32_0 : i32, i32
  }
  func.func @transform_9(%arg0: i32, %arg1: i32) -> (i32, i32) {
    %c0_i32 = arith.constant 0 : i32
    %c0_i32_0 = arith.constant 0 : i32
    %c0_i32_1 = arith.constant 0 : i32
    return %c0_i32, %c0_i32_0 : i32, i32
  }
  func.func @transform_10(%arg0: i32, %arg1: i32) -> (i32, i32) {
    %c0_i32 = arith.constant 0 : i32
    %c0_i32_0 = arith.constant 0 : i32
    %c0_i32_1 = arith.constant 0 : i32
    return %c0_i32, %c0_i32_0 : i32, i32
  }
  func.func @transform_11(%arg0: i32, %arg1: i32) -> (i32, i32) {
    %c0_i32 = arith.constant 0 : i32
    %c0_i32_0 = arith.constant 0 : i32
    %c0_i32_1 = arith.constant 0 : i32
    return %c0_i32, %c0_i32_0 : i32, i32
  }
  func.func @transform_12(%arg0: i32, %arg1: i32) -> (i32, i32) {
    %c0_i32 = arith.constant 0 : i32
    %c0_i32_0 = arith.constant 0 : i32
    %c0_i32_1 = arith.constant 0 : i32
    return %c0_i32, %c0_i32_0 : i32, i32
  }
  func.func @transform_13(%arg0: i32, %arg1: i32) -> (i32, i32) {
    %c0_i32 = arith.constant 0 : i32
    %c0_i32_0 = arith.constant 0 : i32
    %c0_i32_1 = arith.constant 0 : i32
    return %c0_i32, %c0_i32_0 : i32, i32
  }
}

</mosaic_0001>

<sc_bundles>
// kernel: kernel.5.cloned.1.call-start
scs
__scs_entry_jumppad:
0x0: {  	(pc) =	sbr.rel $0x88, $3  }
0x1: {  	(tag) =	ssettag $0x0;
	lr =	simm.s32 $0x1  }
0x2: {  	[smem:$0x3F96] =	sst lr;
	_ =	strace $0xD0000000  }
0x3: {  	_ = 	snop  }
0x4: {  	_ = 	snop  }
0x5: {  	_ = 	snop  }
0x6: {  	_ = 	snop  }
0x7: {  	_ = 	snop  }
__scs_overlays_trampoline_lowered:
0x8: {  	[smem:$0x3FA5] =	sst s0  }
0x9: {  	[smem:$0x3FA6] =	sst s1  }
0xa: {  	[smem:$0x3FA7] =	sst s2  }
0xb: {  	[smem:$0x3FA8] =	sst s3  }
0xc: {  	[smem:$0x3FA9] =	sst s4  }
0xd: {  	[smem:$0x3FAA] =	sst s5  }
0xe: {  	[smem:$0x3FAB] =	sst s6  }
0xf: {  	[smem:$0x3FAC] =	sst s7  }
0x10: {  	[smem:$0x3FAD] =	sst s8  }
0x11: {  	[smem:$0x3FAE] =	sst s9;
	s0 =	simm.s32 @!p0 $0x0  }
0x12: {  	s1 =	sld [smem:$0x3F94];
	s0 =	simm.s32 @p0 $0x1  }
0x13: {  	[smem:$0x3FAF] =	sst s0;
	s0 =	simm.s32 @!p1 $0x0  }
0x14: {  	s2 =	sld [smem:$0x3F93];
	s0 =	simm.s32 @p1 $0x1  }
0x15: {  	[smem:$0x3FB0] =	sst s0;
	s0 =	simm.s32 @!p2 $0x0  }
0x16: {  	s3 =	sld [smem:$0x3FDB];
	s0 =	simm.s32 @p2 $0x1  }
0x17: {  	s4 =	simm.s32 $0x1BF5;
	[smem:$0x3FB2] =	sst s0  }
0x18: {  	s0 =	sld [smem:$0x3F95];
	_ =	swait.ge [sflag:s4], $0x0  }
0x19: {  	s7 =	sld [smem:$0x3F96]  }
0x1a: {  	s8 =	sadd.s32 $0xFFFFE003, lr  }
0x1b: {  	s9 =	sadd.s32 $0xFFFFFEF7, lr;
	s5 =	simm.s32 $0xFFFFFFFF;
	p2 =	slt.u32 s8, $0xFFFFF086  }
0x1c: {  	p1 =	slt.u32 s9, $0xF7A;
	s5 =	simm.s32 @!p2 $0x0  }
0x1d: {  	s5 =	simm.s32 @p1 $0x1;
	p0 =	seq.s32 s7, s2  }
0x1e: {  	s7 =	smul.u32 @!p0 $0xF7A, s2;
	p2 =	seq.s32 @!p0 s5, $0x0  }
0x1f: {  	s9 =	smul.u32 $0xF7A, s1;
	s8 =	simm.s32 @!p0 $0x1BF5;
	p2 =	por !p2, p0  }
0x20: {  	[sflag:s8] =	ssyncset.s32 @!p0 $0xFFFFF086;
	s6 =	sadd.s32 @!p0 s3, s7;
	s7 =	simm.s32 @!p0 $0x108  }
0x21: {  	s3 =	sadd.s32 s3, s9;
	s6 =	sadd.s32 @!p0 $0x88, s6;
	s7 =	simm.s32 @p2 $0x1082  }
0x22: {  	[simem:s7], [sflag:s8] =	dma.local @!p0 [hbm:s6], $0xF7A  }
0x23: {  	s9 =	sor.u32 $0xD0000000, s2;
	s6 =	simm.s32 $0x108;
	_ =	swait.ge @!p0 [sflag:s8], $0x0  }
0x24: {  	s3 =	sadd.s32 $0x88, s3;
	s6 =	simm.s32 @!p1 $0x1082;
	[sflag:s4] =	ssyncset.s32 $0xFFFFF086  }
0x25: {  	[simem:s6], [sflag:s4] =	dma.local [hbm:s3], $0xF7A  }
0x26: {  	[smem:$0x3F96] =	sst s1;
	(tag) =	ssettag s2;
	_ =	strace s9  }
0x27: {  	s1 =	sld [smem:$0x3FA6]  }
0x28: {  	s2 =	sld [smem:$0x3FA7]  }
0x29: {  	s4 =	sld [smem:$0x3FA9]  }
0x2a: {  	p0 =	seq.s32 s5, $0x0;
	s5 =	sld [smem:$0x3FAA]  }
0x2b: {  	s6 =	sld [smem:$0x3FAB]  }
0x2c: {  	s7 =	sld [smem:$0x3FAC]  }
0x2d: {  	s3 =	simm.s32 $0x108;
	s8 =	sld [smem:$0x3FAD]  }
0x2e: {  	s3 =	simm.s32 @!p0 $0x1082;
	s9 =	sld [smem:$0x3FAE]  }
0x2f: {  	lr =	sadd.s32 s0, s3;
	s0 =	sld [smem:$0x3FA5]  }
0x30: {  	s3 =	sld [smem:$0x3FA8]  }
0x31: {  	[smem:$0x3FB1] =	sst s10  }
0x32: {  	s10 =	sld [smem:$0x3FAF];
	_ =	sdelay $0x3  }
0x33: {  	p0 =	seq.s32 s10, $0x1;
	s10 =	sld [smem:$0x3FB1];
	_ =	sdelay $0x3  }
0x34: {  	[smem:$0x3FB1] =	sst s10  }
0x35: {  	s10 =	sld [smem:$0x3FB0];
	_ =	sdelay $0x3  }
0x36: {  	p1 =	seq.s32 s10, $0x1;
	s10 =	sld [smem:$0x3FB1];
	_ =	sdelay $0x3  }
0x37: {  	[smem:$0x3FB1] =	sst s10  }
0x38: {  	s10 =	sld [smem:$0x3FB2]  }
0x39: {  	_ = 	snop;
	(pc) =	sbr.ind lr, $3  }
0x3a: {  	_ = 	snop  }
0x3b: {  	_ = 	snop  }
0x3c: {  	p2 =	seq.s32 s10, $0x1;
	s10 =	sld [smem:$0x3FB1]  }
0x3d: {  	_ =	shalt  }
0x3e: {  	_ =	shalt  }
0x3f: {  	_ =	shalt  }
0x40: {  	_ =	shalt  }
0x41: {  	_ =	shalt  }
0x42: {  	_ =	shalt  }
0x43: {  	_ =	shalt  }
0x44: {  	_ =	shalt  }
0x45: {  	_ =	shalt  }
0x46: {  	_ =	shalt  }
0x47: {  	_ =	shalt  }
0x48: {  	_ =	shalt  }
0x49: {  	_ =	shalt  }
0x4a: {  	_ =	shalt  }
0x4b: {  	_ =	shalt  }
0x4c: {  	_ =	shalt  }
0x4d: {  	_ =	shalt  }
0x4e: {  	_ =	shalt  }
0x4f: {  	_ =	shalt  }
0x50: {  	_ =	shalt  }
0x51: {  	_ =	shalt  }
0x52: {  	_ =	shalt  }
0x53: {  	_ =	shalt  }
0x54: {  	_ =	shalt  }
0x55: {  	_ =	shalt  }
0x56: {  	_ =	shalt  }
0x57: {  	_ =	shalt  }
0x58: {  	_ =	shalt  }
0x59: {  	_ =	shalt  }
0x5a: {  	_ =	shalt  }
0x5b: {  	_ =	shalt  }
0x5c: {  	_ =	shalt  }
0x5d: {  	_ =	shalt  }
0x5e: {  	_ =	shalt  }
0x5f: {  	_ =	shalt  }
0x60: {  	_ =	shalt  }
0x61: {  	_ =	shalt  }
0x62: {  	_ =	shalt  }
0x63: {  	_ =	shalt  }
0x64: {  	_ =	shalt  }
0x65: {  	_ =	shalt  }
0x66: {  	_ =	shalt  }
0x67: {  	_ =	shalt  }
0x68: {  	_ =	shalt  }
0x69: {  	_ =	shalt  }
0x6a: {  	_ =	shalt  }
0x6b: {  	_ =	shalt  }
0x6c: {  	_ =	shalt  }
0x6d: {  	_ =	shalt  }
0x6e: {  	_ =	shalt  }
0x6f: {  	_ =	shalt  }
0x70: {  	_ =	shalt  }
0x71: {  	_ =	shalt  }
0x72: {  	_ =	shalt  }
0x73: {  	_ =	shalt  }
0x74: {  	_ =	shalt  }
0x75: {  	_ =	shalt  }
0x76: {  	_ =	shalt  }
0x77: {  	_ =	shalt  }
0x78: {  	_ =	shalt  }
0x79: {  	_ =	shalt  }
0x7a: {  	_ =	shalt  }
0x7b: {  	_ =	shalt  }
0x7c: {  	_ =	shalt  }
0x7d: {  	_ =	shalt  }
0x7e: {  	_ =	shalt  }
0x7f: {  	_ =	shalt  }
0x80: {  	_ =	shalt  }
0x81: {  	_ =	shalt  }
0x82: {  	_ =	shalt  }
0x83: {  	_ =	shalt  }
0x84: {  	_ =	shalt  }
0x85: {  	_ =	shalt  }
0x86: {  	_ =	shalt  }
0x87: {  	_ =	shalt  }
.Lfunc_end0:
.L_simem_size_0:
called_computation_lowered:
.L_overlay_start_0:
0x88: {  	s2 =	sld [smem:$0x3FD9]  }
0x89: {  	s3 =	sld [smem:$0x3FFE];
	_ =	sdelay $0x1  }
0x8a: {  	s1 =	srdreg.scid  }
0x8b: {  	s0 =	sand.u32 $0x1, s1  }
0x8c: {  	s17 =	sshll.u32 s0, $0xA;
	s2 =	sadd.s32 s3, s2  }
0x8d: {  	s2 =	sadd.s32 s2, s17  }
0x8e: {  	[smem:$0x3FBD] =	sst s2  }
0x8f: {  	_ = 	snop  }
0x90: {  	s2 =	sld [smem:$0x3FC7]  }
0x91: {  	s18 =	sld [smem:$0x3FC6]  }
0x92: {  	s4 =	sld [smem:$0x3FC4]  }
0x93: {  	s5 =	sld [smem:$0x3FC3]  }
0x94: {  	s6 =	sld [smem:$0x3FC2]  }
0x95: {  	s7 =	sld [smem:$0x3FC1]  }
0x96: {  	s8 =	sld [smem:$0x3FC0]  }
0x97: {  	s9 =	sld [smem:$0x3FBF];
	(tm) =	ssettm $0x1  }
0x98: {  	s10 =	sld [smem:$0x3FFB];
	_ =	sdelay $0x3  }
0x99: {  	_ =	strace s10  }
0x9a: {  	s10 =	sld [smem:$0x3FFC];
	_ =	sdelay $0x3  }
0x9b: {  	_ =	strace s10  }
0x9c: {  	s10 =	sld [smem:$0x3FFD];
	_ =	sdelay $0x3  }
0x9d: {  	_ =	strace s10  }
0x9e: {  	_ =	strace $0x8FFFFFFF  }
0x9f: {  	s19 =	sld [smem:$0x3FDB];
	_ =	sdelay $0x1  }
0xa0: {  	s11 =	simm.s32 $_scs_section_size  }
0xa1: {  	s12 =	simm.s32 $_size__tile_overlayer_lowered;
	s13 =	simm.s32 $_tile_overlayer_lowered  }
0xa2: {  	s22 =	simm.s32 $0x1BFF;
	s21 =	sshll.u32 s13, $0x1;
	s10 =	sadd.s32 s11, s19  }
0xa3: {  	s14 =	simm.s32 $0x0;
	s20 =	sshll.u32 s12, $0x1;
	s12 =	sadd.s32 s21, s10  }
0xa4: {  	[timem:s14], [sflag:s22] =	dma.local [hbm:s12], s20  }
0xa5: {  	_ =	swait.ge [sflag:s22], s20  }
0xa6: {  	s11 =	ssub.s32 $0x0, s20;
	[sflag:s22] =	ssyncset.done $0x0  }
0xa7: {  	[sflag:s22] =	ssyncadd.s32 s11;
	_ =	sdelay $0x1  }
0xa8: {  	s23 =	simm.s32 $0x1B8B  }
0xa9: {  	_ =	swait.ge [sflag:s23], $0x1  }
0xaa: {  	[sflag:s23] =	ssyncset.done $0x0  }
0xab: {  	s25 =	simm.s32 $0x1B8E;
	s24 =	sld [smem:$0x3FFE];
	[sflag:s23] =	ssyncadd.s32 $0xFFFFFFFF  }
0xac: {  	s26 =	simm.s32 $execute0_lowered;
	[smem:$0x3FD2] =	sst s25  }
0xad: {  	s12 =	sshll.u32 s26, $0x1;
	_ =	strace $0x80000046;
	[dreg:$0x1] =	wrdreg $0xFFFFFFFF  }
0xae: {  	s28 =	simm.s32 $_size_execute0_lowered;
	s10 =	sadd.s32 s10, s12;
	[dreg:$0x0] =	wrdreg $0x0  }
0xaf: {  	s12 =	sshll.u32 s28, $0x1;
	[dreg:$0x2] =	wrdreg s10  }
0xb0: {  	[dreg:$0x3] =	wrdreg s12  }
0xb1: {  	[dreg:$0x4] =	wrdreg $0xC0  }
0xb2: {  	_ =	task [dreg:s14], $0x5FFFF  }
0xb3: {  	[dreg:$0x1] =	wrdreg $0xFFFFFFFF  }
0xb4: {  	[dreg:$0x0] =	wrdreg $0x60  }
0xb5: {  	[dreg:$0x2] =	wrdreg s2  }
0xb6: {  	[dreg:$0x3] =	wrdreg s18  }
0xb7: {  	[dreg:$0x4] =	wrdreg s8  }
0xb8: {  	[dreg:$0x5] =	wrdreg s4  }
0xb9: {  	[dreg:$0x6] =	wrdreg s6  }
0xba: {  	[dreg:$0x7] =	wrdreg s9  }
0xbb: {  	[dreg:$0x8] =	wrdreg s5  }
0xbc: {  	[dreg:$0x9] =	wrdreg s7  }
0xbd: {  	[dreg:$0xa] =	wrdreg s24  }
0xbe: {  	[dreg:$0xb] =	wrdreg $0x9  }
0xbf: {  	_ =	task.clear_ibuf [dreg:s14], $0xCFFFF;
	_ =	strace $0x90000046  }
0xc0: {  	s29 =	simm.s32 $0x9;
	_ =	strace $0x80000048  }
0xc1: {  	_ =	swait.ge [sflag:s29], $0x1  }
0xc2: {  	[sflag:s29] =	ssyncadd.s32 $0xFFFFFFFF  }
0xc3: {  	_ =	strace $0x90000048  }
0xc4: {  	_ =	sfence  }
0xc5: {  	s30 =	sld [smem:$0x0];
	_ =	sdelay $0x2  }
0xc6: {  	s31 =	sshll.u32 s1, $0xD;
	s1 =	sshrl.u32 s1, $0x2  }
0xc7: {  	s3 =	sand.u32 $0x4000, s31;
	s1 =	sadd.s32 s1, s30  }
0xc8: {  	s0 =	sor.u32 s3, s0;
	s1 =	sshll.u32 s1, $0x11  }
0xc9: {  	s0 =	sor.u32 s1, s0  }
0xca: {  	s0 =	sadd.s32 $0x8F2B, s0  }
0xcb: {  	[sflag:s0] =	ssyncadd.remote.s32 $0x1  }
0xcc: {  	_ =	sfence.sel $0xFFFF  }
0xcd: {  	[dreg:$0x0] =	wrdreg $0xFFFFFFFF;
	(pc) =	sbr.abs _section_cstart, $3  }
0xce: {  	[dreg:$0x1] =	wrdreg $0xFFFFFFFF  }
0xcf: {  	_ =	task.clear_ibuf [dreg:s14], $0x2FFFF;
	_ =	strace $0x9FFFFFFF  }
0xd0: {  	(tm) =	ssettm $0x7FFFFFFF  }
0xd1: {  	_ =	shalt  }
tec
execute0_lowered:
.L_overlay_start_1:
0x0: {  	(tag) =	ssettag $0x1  }
0x1: {  	s9 =	rddreg [dreg:$0x0]  }
0x2: {  	s10 =	rddreg [dreg:$0x1]  }
0x3: {  	s0 =	rddreg [dreg:$0x2]  }
0x4: {  	s1 =	rddreg [dreg:$0x3]  }
0x5: {  	s3 =	rddreg [dreg:$0x4]  }
0x6: {  	s4 =	rddreg [dreg:$0x5];
	s6 =	srdreg.scid  }
0x7: {  	s5 =	rddreg [dreg:$0x6];
	s2 =	stileid.u32;
	s28 =	sand.u32 $0x1, s6  }
0x8: {  	s7 =	rddreg [dreg:$0x7];
	s11 =	sshll.u32 s2, $0x7;
	s23 =	sshll.u32 s28, $0x6  }
0x9: {  	s22 =	rddreg [dreg:$0x8];
	s8 =	simm.s32 $0x0;
	s18 =	sor.u32 s23, s11  }
0xa: {  	[smem:$0x7FF] =	sst s8;
	s11 =	sshrl.u32 s18, $0x3  }
0xb: {  	s6 =	rddreg [dreg:$0x9];
	_ =	strace $0x80000047;
	s9 =	sadd.s32 s9, s11  }
0xc: {  	[tilespmem:s8], [sflag:$0x1] =	stream.linear.gather [hbm4b:s9+s8], $0x40, $0x38;
	[tilespmem:$0x400] =	vst v63  }
0xd: {  	s12 =	simm.s32 $0x1;
	s10 =	sadd.s32 s10, s11;
	s11 =	simm.s32 $0x80  }
0xe: {  	[tilespmem:s11], [sflag:$0x1] =	stream.linear.gather [hbm4b:s10+s8], $0x40, $0x38;
	[tilespmem:$0x400] =	vst v63  }
0xf: {  	_ =	swait.ge [sflag:s12], $0x40  }
0x10: {  	[sflag:s12] =	ssyncset.done $0x0  }
0x11: {  	[sflag:s12] =	ssyncadd.s32 $0xFFFFFFC0  }
0x12: {  	_ =	swait.ge [sflag:s12], $0x40  }
0x13: {  	[sflag:s12] =	ssyncset.done $0x0  }
0x14: {  	s13 =	simm.s32 $0x40;
	s14 =	simm.s32 $0x100;
	[sflag:s12] =	ssyncadd.s32 $0xFFFFFFC0  }
0x15: {  	[tilespmem:s14], [sflag:$0x1] =	stream.indirect.gather [hbm4b:s0+s13], $0x1, s8, s13, $0xb8;
	[tilespmem:$0x400] =	vst v63  }
0x16: {  	s15 =	simm.s32 $0x180  }
0x17: {  	[tilespmem:s15], [sflag:$0x1] =	stream.indirect.gather [hbm4b:s1+s13], $0x1, s8, s13, $0xb8;
	[tilespmem:$0x400] =	vst v63  }
0x18: {  	s16 =	simm.s32 $0x200  }
0x19: {  	[tilespmem:s16], [sflag:$0x1] =	stream.indirect.gather [hbm4b:s3+s13], $0x1, s8, s13, $0xb8;
	[tilespmem:$0x400] =	vst v63  }
0x1a: {  	s17 =	simm.s32 $0x280  }
0x1b: {  	[tilespmem:s17], [sflag:$0x1] =	stream.indirect.gather [hbm4b:s4+s13], $0x1, s11, s13, $0xb8;
	[tilespmem:$0x400] =	vst v63  }
0x1c: {  	s24 =	sshll.u32 s18, $0x1;
	s18 =	simm.s32 $0x300  }
0x1d: {  	[tilespmem:s18], [sflag:$0x1] =	stream.indirect.gather [hbm4b:s5+s13], $0x1, s11, s13, $0xb8;
	[tilespmem:$0x400] =	vst v63  }
0x1e: {  	s19 =	simm.s32 $0x380;
	s20 =	sand.u32 $0xF00, s24  }
0x1f: {  	[tilespmem:s19], [sflag:$0x1] =	stream.indirect.gather [hbm4b:s7+s13], $0x1, s11, s13, $0xb8;
	[tilespmem:$0x400] =	vst v63  }
0x20: {  	s20 =	sor.u32 s23, s20;
	_ =	swait.ge [sflag:s12], $0x40  }
0x21: {  	s25 =	sadd.s32 $0x1400, s22;
	s26 =	sshrl.u32 s20, $0x3;
	[sflag:s12] =	ssyncset.done $0x0  }
0x22: {  	s20 =	sadd.s32 s25, s26;
	[sflag:s12] =	ssyncadd.s32 $0xFFFFFFC0  }
0x23: {  	[hbm4b:s20+s8] =	stream.linear.scatter [tilespmem:s14], [sflag:$0x2], $0x40, $0x38;
	[tilespmem:$0x400] =	vst v63  }
0x24: {  	_ =	swait.ge [sflag:s12], $0x40  }
0x25: {  	s29 =	sadd.s32 $0x1600, s22;
	[sflag:s12] =	ssyncset.done $0x0  }
0x26: {  	s21 =	sadd.s32 s29, s26;
	[sflag:s12] =	ssyncadd.s32 $0xFFFFFFC0  }
0x27: {  	[hbm4b:s21+s8] =	stream.linear.scatter [tilespmem:s15], [sflag:$0x2], $0x40, $0x38;
	[tilespmem:$0x400] =	vst v63  }
0x28: {  	_ =	swait.ge [sflag:s12], $0x40  }
0x29: {  	s30 =	sadd.s32 $0x1800, s22;
	[sflag:s12] =	ssyncset.done $0x0  }
0x2a: {  	s23 =	sor.u32 s23, s24;
	s22 =	sadd.s32 s30, s26;
	[sflag:s12] =	ssyncadd.s32 $0xFFFFFFC0  }
0x2b: {  	[hbm4b:s22+s8] =	stream.linear.scatter [tilespmem:s16], [sflag:$0x2], $0x40, $0x38;
	[tilespmem:$0x400] =	vst v63  }
0x2c: {  	s23 =	sshrl.u32 s23, $0x3;
	_ =	swait.ge [sflag:s12], $0x40  }
0x2d: {  	s31 =	sor.u32 $0x10, s23;
	[sflag:s12] =	ssyncset.done $0x0  }
0x2e: {  	s23 =	sadd.s32 s25, s31;
	[sflag:s12] =	ssyncadd.s32 $0xFFFFFFC0  }
0x2f: {  	[hbm4b:s23+s8] =	stream.linear.scatter [tilespmem:s17], [sflag:$0x2], $0x40, $0x38;
	[tilespmem:$0x400] =	vst v63  }
0x30: {  	_ =	swait.ge [sflag:s12], $0x40  }
0x31: {  	[sflag:s12] =	ssyncset.done $0x0  }
0x32: {  	s24 =	sadd.s32 s29, s31;
	[sflag:s12] =	ssyncadd.s32 $0xFFFFFFC0  }
0x33: {  	[hbm4b:s24+s8] =	stream.linear.scatter [tilespmem:s18], [sflag:$0x2], $0x40, $0x38;
	[tilespmem:$0x400] =	vst v63  }
0x34: {  	_ =	swait.ge [sflag:s12], $0x40  }
0x35: {  	[sflag:s12] =	ssyncset.done $0x0  }
0x36: {  	s26 =	simm.s32 $0x2;
	s25 =	sadd.s32 s30, s31;
	[sflag:s12] =	ssyncadd.s32 $0xFFFFFFC0  }
0x37: {  	[hbm4b:s25+s8] =	stream.linear.scatter [tilespmem:s19], [sflag:$0x2], $0x40, $0x38;
	[tilespmem:$0x400] =	vst v63  }
0x38: {  	_ =	swait.ge [sflag:s26], $0x40  }
0x39: {  	[sflag:s26] =	ssyncset.done $0x0  }
0x3a: {  	[sflag:s26] =	ssyncadd.s32 $0xFFFFFFC0  }
0x3b: {  	_ =	swait.ge [sflag:s26], $0x40  }
0x3c: {  	[sflag:s26] =	ssyncset.done $0x0  }
0x3d: {  	[sflag:s26] =	ssyncadd.s32 $0xFFFFFFC0  }
0x3e: {  	_ =	swait.ge [sflag:s26], $0x40  }
0x3f: {  	s28 =	ssub.s32 $0x2, s28;
	[sflag:s26] =	ssyncset.done $0x0  }
0x40: {  	s31 =	sshrl.u32 s28, $0x1;
	[sflag:s26] =	ssyncadd.s32 $0xFFFFFFC0  }
0x41: {  	s28 =	ssub.s32 s28, s31;
	_ =	swait.ge [sflag:s26], $0x40  }
0x42: {  	s28 =	smax.u32 s28, $0x1;
	[sflag:s26] =	ssyncset.done $0x0  }
0x43: {  	p0 =	sne.s32 s28, $0x1;
	[sflag:s26] =	ssyncadd.s32 $0xFFFFFFC0  }
.Ltmp0:
0x44: {  	_ =	swait.ge [sflag:s26], $0x40;
	(pc) =	sbr.rel @!p0 .LBB2_2-.Ltmp0, $4  }
0x45: {  	[sflag:s26] =	ssyncset.done $0x0  }
0x46: {  	[sflag:s26] =	ssyncadd.s32 $0xFFFFFFC0  }
0x47: {  	_ =	swait.ge [sflag:s26], $0x40  }
0x48: {  	s28 =	sadd.s32 $0xFFFFFFFF, s28;
	[sflag:s26] =	ssyncset.done $0x0  }
.LBB2_1:
0x49: {  	p0 =	sne.s32 s28, $0x1;
	s28 =	sadd.s32 $0xFFFFFFFF, s28;
	[sflag:s26] =	ssyncadd.s32 $0xFFFFFFC0  }
0x4a: {  	[tilespmem:s8], [sflag:$0x1] =	stream.linear.gather [hbm4b:s9+s8], $0x40, $0x38;
	[tilespmem:$0x400] =	vst v63  }
0x4b: {  	_ = 	snop  }
0x4c: {  	[tilespmem:s11], [sflag:$0x1] =	stream.linear.gather [hbm4b:s10+s8], $0x40, $0x38;
	[tilespmem:$0x400] =	vst v63  }
0x4d: {  	_ =	swait.ge [sflag:s12], $0x40  }
0x4e: {  	[sflag:s12] =	ssyncset.done $0x0  }
0x4f: {  	[sflag:s12] =	ssyncadd.s32 $0xFFFFFFC0  }
0x50: {  	_ =	swait.ge [sflag:s12], $0x40  }
0x51: {  	[sflag:s12] =	ssyncset.done $0x0  }
0x52: {  	[sflag:s12] =	ssyncadd.s32 $0xFFFFFFC0  }
0x53: {  	[tilespmem:s14], [sflag:$0x1] =	stream.indirect.gather [hbm4b:s0+s13], $0x1, s8, s13, $0xb8;
	[tilespmem:$0x400] =	vst v63  }
0x54: {  	_ = 	snop  }
0x55: {  	[tilespmem:s15], [sflag:$0x1] =	stream.indirect.gather [hbm4b:s1+s13], $0x1, s8, s13, $0xb8;
	[tilespmem:$0x400] =	vst v63  }
0x56: {  	_ = 	snop  }
0x57: {  	[tilespmem:s16], [sflag:$0x1] =	stream.indirect.gather [hbm4b:s3+s13], $0x1, s8, s13, $0xb8;
	[tilespmem:$0x400] =	vst v63  }
0x58: {  	_ = 	snop  }
0x59: {  	[tilespmem:s17], [sflag:$0x1] =	stream.indirect.gather [hbm4b:s4+s13], $0x1, s11, s13, $0xb8;
	[tilespmem:$0x400] =	vst v63  }
0x5a: {  	_ = 	snop  }
0x5b: {  	[tilespmem:s18], [sflag:$0x1] =	stream.indirect.gather [hbm4b:s5+s13], $0x1, s11, s13, $0xb8;
	[tilespmem:$0x400] =	vst v63  }
0x5c: {  	_ = 	snop  }
0x5d: {  	[tilespmem:s19], [sflag:$0x1] =	stream.indirect.gather [hbm4b:s7+s13], $0x1, s11, s13, $0xb8;
	[tilespmem:$0x400] =	vst v63  }
0x5e: {  	_ =	swait.ge [sflag:s12], $0x40  }
0x5f: {  	[sflag:s12] =	ssyncset.done $0x0  }
0x60: {  	[sflag:s12] =	ssyncadd.s32 $0xFFFFFFC0  }
0x61: {  	[hbm4b:s20+s8] =	stream.linear.scatter [tilespmem:s14], [sflag:$0x2], $0x40, $0x38;
	[tilespmem:$0x400] =	vst v63  }
0x62: {  	_ =	swait.ge [sflag:s12], $0x40  }
0x63: {  	[sflag:s12] =	ssyncset.done $0x0  }
0x64: {  	[sflag:s12] =	ssyncadd.s32 $0xFFFFFFC0  }
0x65: {  	[hbm4b:s21+s8] =	stream.linear.scatter [tilespmem:s15], [sflag:$0x2], $0x40, $0x38;
	[tilespmem:$0x400] =	vst v63  }
0x66: {  	_ =	swait.ge [sflag:s12], $0x40  }
0x67: {  	[sflag:s12] =	ssyncset.done $0x0  }
0x68: {  	[sflag:s12] =	ssyncadd.s32 $0xFFFFFFC0  }
0x69: {  	[hbm4b:s22+s8] =	stream.linear.scatter [tilespmem:s16], [sflag:$0x2], $0x40, $0x38;
	[tilespmem:$0x400] =	vst v63  }
0x6a: {  	_ =	swait.ge [sflag:s12], $0x40  }
0x6b: {  	[sflag:s12] =	ssyncset.done $0x0  }
0x6c: {  	[sflag:s12] =	ssyncadd.s32 $0xFFFFFFC0  }
0x6d: {  	[hbm4b:s23+s8] =	stream.linear.scatter [tilespmem:s17], [sflag:$0x2], $0x40, $0x38;
	[tilespmem:$0x400] =	vst v63  }
0x6e: {  	_ =	swait.ge [sflag:s12], $0x40  }
0x6f: {  	[sflag:s12] =	ssyncset.done $0x0  }
0x70: {  	[sflag:s12] =	ssyncadd.s32 $0xFFFFFFC0  }
0x71: {  	[hbm4b:s24+s8] =	stream.linear.scatter [tilespmem:s18], [sflag:$0x2], $0x40, $0x38;
	[tilespmem:$0x400] =	vst v63  }
0x72: {  	_ =	swait.ge [sflag:s12], $0x40  }
0x73: {  	[sflag:s12] =	ssyncset.done $0x0  }
0x74: {  	[sflag:s12] =	ssyncadd.s32 $0xFFFFFFC0  }
0x75: {  	[hbm4b:s25+s8] =	stream.linear.scatter [tilespmem:s19], [sflag:$0x2], $0x40, $0x38;
	[tilespmem:$0x400] =	vst v63  }
0x76: {  	_ =	swait.ge [sflag:s26], $0x40  }
0x77: {  	[sflag:s26] =	ssyncset.done $0x0  }
0x78: {  	[sflag:s26] =	ssyncadd.s32 $0xFFFFFFC0  }
0x79: {  	_ =	swait.ge [sflag:s26], $0x40  }
0x7a: {  	[sflag:s26] =	ssyncset.done $0x0  }
0x7b: {  	[sflag:s26] =	ssyncadd.s32 $0xFFFFFFC0  }
0x7c: {  	_ =	swait.ge [sflag:s26], $0x40  }
0x7d: {  	[sflag:s26] =	ssyncset.done $0x0  }
0x7e: {  	[sflag:s26] =	ssyncadd.s32 $0xFFFFFFC0  }
0x7f: {  	_ =	swait.ge [sflag:s26], $0x40  }
0x80: {  	[sflag:s26] =	ssyncset.done $0x0  }
0x81: {  	[sflag:s26] =	ssyncadd.s32 $0xFFFFFFC0  }
.Ltmp1:
0x82: {  	_ =	swait.ge [sflag:s26], $0x40;
	(pc) =	sbr.rel @p0 .LBB2_1-.Ltmp1, $4  }
0x83: {  	[sflag:s26] =	ssyncset.done $0x0  }
0x84: {  	[sflag:s26] =	ssyncadd.s32 $0xFFFFFFC0  }
0x85: {  	_ =	swait.ge [sflag:s26], $0x40  }
0x86: {  	[sflag:s26] =	ssyncset.done $0x0  }
.LBB2_2:
0x87: {  	[sflag:s26] =	ssyncadd.s32 $0xFFFFFFC0  }
0x88: {  	_ =	sfence.sel $0x180000  }
0x89: {  	[bflag:$0x0] =	sbarrier.arrive $0xFFFF  }
0x8a: {  	p0 =	sne.s32 s2, $0x0;
	_ =	strace $0x90000047  }
0x8b: {  	s0 =	sadd.s32 @!p0 $0x100000, s6;
	[bflag:$0x2] =	sbarrier.arrive $0xFFFF  }
0x8c: {  	[sflag:s0] =	ssyncadd.tile.s32 @!p0 $0x1;
	_ =	shalt  }
.Lfunc_end2:
_tile_overlayer_lowered:
.L_overlay_start_2:
0x8d: {  	(tag) =	ssettag $0x2  }
0x8e: {  	s0 =	rddreg [dreg:$0x0];
	s2 =	stileid.u32  }
0x8f: {  	s1 =	rddreg [dreg:$0x1];
	p0 =	sne.s32 s2, $0x0  }
0x90: {  	s3 =	rddreg [dreg:$0x2];
	[bflag:$0x3] =	sbarrier.arrive $0xFFFF;
	s2 =	simm.s32 @!p0 $0x1C03  }
0x91: {  	[timem:s3], [sflag:s2] =	dma.local @!p0 [hbm:s0], s1  }
0x92: {  	s0 =	simm.s32 @!p0 $0x3  }
0x93: {  	_ =	swait.ge @!p0 [sflag:s0], s1  }
0x94: {  	s1 =	ssub.s32 @!p0 $0x0, s1;
	[sflag:s0] =	ssyncset.done @!p0 $0x0  }
0x95: {  	[sflag:s0] =	ssyncadd.s32 @!p0 s1  }
0x96: {  	[bflag:$0x3] =	sbarrier.arrive $0xFFFF  }
0x97: {  	_ =	shalt  }

</sc_bundles>
